<compile_context>
chip_gen: v7x
topology: tpu7x:2x2x1
jax: 0.10.2.dev20260603
libtpu: 0.0.44.dev20260713+nightly
codegen_flags: <defaults>
</compile_context>

<pallas_src>
import functools

import jax
import jax.numpy as jnp
from jax import lax
from jax.experimental import pallas as pl
from jax.experimental.pallas import tpu as pltpu
from jax.experimental.pallas import tpu_sc as plsc

N_VOCAB = 8
DIM = 10
LANES = 16
NUM_CORES = 2
NUM_SUBCORES = 16
NUM_WORKERS = NUM_CORES * NUM_SUBCORES


def _sc_lut_remap(total, sub):
    per_w = total // NUM_WORKERS
    nsub = per_w // sub
    n_vec = sub // LANES

    mesh = plsc.VectorSubcoreMesh(core_axis_name="c", subcore_axis_name="s")

    @functools.partial(
        pl.kernel,
        out_type=jax.ShapeDtypeStruct((total,), jnp.float32),
        mesh=mesh,
        scratch_types=[
            pltpu.VMEM((LANES, LANES), jnp.float32),
            pltpu.VMEM((LANES, LANES), jnp.float32),
            pltpu.VMEM((sub,), jnp.int32),
            pltpu.VMEM((sub,), jnp.int32),
            pltpu.VMEM((sub,), jnp.float32),
            pltpu.VMEM((sub,), jnp.float32),
            pltpu.SemaphoreType.DMA,
            pltpu.SemaphoreType.DMA,
            pltpu.SemaphoreType.DMA,
            pltpu.SemaphoreType.DMA,
        ],
    )
    def k(idx_hbm, tab_hbm, wb_hbm, out_hbm, tab_v, wb_v,
          idx0, idx1, out0, out1, si0, si1, so0, so1):
        wid = lax.axis_index("s") * NUM_CORES + lax.axis_index("c")
        base = wid * per_w
        idx_bufs, out_bufs = (idx0, idx1), (out0, out1)
        sin, sout = (si0, si1), (so0, so1)

        pltpu.sync_copy(tab_hbm, tab_v)
        pltpu.sync_copy(wb_hbm, wb_v)

        acc = jnp.zeros((LANES,), jnp.float32)
        for d in range(DIM):
            acc = acc + tab_v[d] * wb_v[d]
        z = acc + wb_v[DIM]
        s = 1.0 / (1.0 + jnp.exp(-z))

        def compute(ib, ob):
            def inner(i, c):
                v = ib[pl.ds(i * LANES, LANES)]
                ob[pl.ds(i * LANES, LANES)] = lax.gather(
                    s, v[:, None],
                    dimension_numbers=lax.GatherDimensionNumbers(
                        offset_dims=(), collapsed_slice_dims=(0,),
                        start_index_map=(0,)),
                    slice_sizes=(1,),
                    mode=lax.GatherScatterMode.PROMISE_IN_BOUNDS)
                return c

            lax.fori_loop(0, n_vec, inner, 0, unroll=8)

        h_in = [None] * nsub
        h_out = [None] * nsub
        h_in[0] = pltpu.async_copy(idx_hbm.at[pl.ds(base, sub)], idx0, si0)
        h_in[1] = pltpu.async_copy(idx_hbm.at[pl.ds(base + sub, sub)], idx1, si1)
        for j in range(nsub):
            slot = j % 2
            h_in[j].wait()
            if j >= 2:
                h_out[j - 2].wait()
            compute(idx_bufs[slot], out_bufs[slot])
            h_out[j] = pltpu.async_copy(
                out_bufs[slot], out_hbm.at[pl.ds(base + j * sub, sub)],
                sout[slot])
            if j + 2 < nsub:
                h_in[j + 2] = pltpu.async_copy(
                    idx_hbm.at[pl.ds(base + (j + 2) * sub, sub)],
                    idx_bufs[slot], sin[slot])
        h_out[nsub - 2].wait()
        h_out[nsub - 1].wait()

    return k


def kernel(indices, table, W, b):
    bsz, seq = indices.shape
    total = bsz * seq
    sub = 25600

    idx_flat = indices.reshape(total).astype(jnp.int32)
    tab_t = jnp.zeros((LANES, LANES), jnp.float32).at[:DIM, :N_VOCAB].set(table.T)
    wb = (
        jnp.zeros((LANES, LANES), jnp.float32)
        .at[:DIM, :].set(jnp.broadcast_to(W[0][:, None], (DIM, LANES)))
        .at[DIM, :].set(b[0])
    )

    out_flat = _sc_lut_remap(total, sub)(idx_flat, tab_t, wb)
    return out_flat.reshape(bsz, seq, 1)

# --- scband reference (transcript-rebuilt; emitter-appended) ---
"""Pipeline reference for scband-some-model-11879879541773 (READ-ONLY COPY).

The authoritative reference and input builder live on the scoring server;
editing this copy changes nothing except your own understanding.
"""

import jax, jax.numpy as jnp
import numpy as np

N_VOCAB = 8
DIM = 10

def setup_inputs(seed: int = 0) -> dict:
    key = jax.random.key(seed)
    k1, k2, k3, k4 = jax.random.split(key, 4)
    indices = jax.random.randint(k1, (16384, 200), 0, N_VOCAB, dtype=jnp.int64 if jax.config.jax_enable_x64 else jnp.int32)
    table = jax.random.normal(k2, (N_VOCAB, DIM), dtype=jnp.float32)
    # nn.Linear(dim, 1): weight [1, dim], bias [1]
    bound = 1.0 / np.sqrt(DIM)
    W = jax.random.uniform(k3, (1, DIM), dtype=jnp.float32, minval=-bound, maxval=bound)
    b = jax.random.uniform(k4, (1,), dtype=jnp.float32, minval=-bound, maxval=bound)
    return {"indices": indices, "table": table, "W": W, "b": b}

def reference(indices, table, W, b):
    emb = jnp.take(table, indices, axis=0)            # [B, L, DIM]
    lin = emb @ W.T + b                                # [B, L, 1]
    return jax.nn.sigmoid(lin)

if __name__ == "__main__":
    import jax
    _d = setup_inputs()
    print(jax.jit(kernel)(*tuple(_d.values())))

</pallas_src>

<mosaic_0001>
#map = affine_map<(d0, d1) -> (0)>
#map1 = affine_map<(d0, d1) -> (0, 0)>
module attributes {stable_mosaic.version = 14 : i64} {
  func.func @k(%arg0: i32, %arg1: i32, %arg2: memref<3276800xi32, #tpu.memory_space<hbm>>, %arg3: memref<16x16xf32, #tpu.memory_space<hbm>>, %arg4: memref<16x16xf32, #tpu.memory_space<hbm>>, %arg5: memref<3276800xf32, #tpu.memory_space<hbm>>, %arg6: memref<16x16xf32, #tpu.memory_space<vmem>>, %arg7: memref<16x16xf32, #tpu.memory_space<vmem>>, %arg8: memref<25600xi32, #tpu.memory_space<vmem>>, %arg9: memref<25600xi32, #tpu.memory_space<vmem>>, %arg10: memref<25600xf32, #tpu.memory_space<vmem>>, %arg11: memref<25600xf32, #tpu.memory_space<vmem>>, %arg12: memref<!tpu.dma_semaphore, #tpu.memory_space<semaphore_mem>>, %arg13: memref<!tpu.dma_semaphore, #tpu.memory_space<semaphore_mem>>, %arg14: memref<!tpu.dma_semaphore, #tpu.memory_space<semaphore_mem>>, %arg15: memref<!tpu.dma_semaphore, #tpu.memory_space<semaphore_mem>>) attributes {dimension_semantics = [#tpu.dimension_semantics<core_parallel>, #tpu.dimension_semantics<subcore_parallel>], iteration_bounds = array<i64: 2, 16>, scalar_prefetch = 0 : i64, scratch_operands = 10 : i64, tpu.core_type = #tpu.core_type<sc_vector_subcore>, window_params = [{transform_indices = #map}, {transform_indices = #map1}, {transform_indices = #map1}, {transform_indices = #map}]} {
    %mul3A = arith.constant 2 : i32
    %mul3A_0 = arith.muli %arg1, %mul3A : i32
    %add3A = arith.addi %mul3A_0, %arg0 : i32
    %mul3A_1 = arith.constant 102400 : i32
    %mul3A_2 = arith.muli %add3A, %mul3A_1 : i32
    "tpu.region"() ({
      %run_scoped3A = tpu.sem_alloc : memref<!tpu.dma_semaphore, #tpu.memory_space<semaphore_mem>>
      tpu.enqueue_dma source(%arg3 : memref<16x16xf32, #tpu.memory_space<hbm>>) target(%arg6 : memref<16x16xf32, #tpu.memory_space<vmem>>) target_semaphore(%run_scoped3A : memref<!tpu.dma_semaphore, #tpu.memory_space<semaphore_mem>>)
      tpu.wait_dma2 semaphore(%run_scoped3A : memref<!tpu.dma_semaphore, #tpu.memory_space<semaphore_mem>>) src(%arg3 : memref<16x16xf32, #tpu.memory_space<hbm>>) dst(%arg6 : memref<16x16xf32, #tpu.memory_space<vmem>>)
      tpu.yield
    }) : () -> ()
    "tpu.region"() ({
      %run_scoped3A = tpu.sem_alloc : memref<!tpu.dma_semaphore, #tpu.memory_space<semaphore_mem>>
      tpu.enqueue_dma source(%arg4 : memref<16x16xf32, #tpu.memory_space<hbm>>) target(%arg7 : memref<16x16xf32, #tpu.memory_space<vmem>>) target_semaphore(%run_scoped3A : memref<!tpu.dma_semaphore, #tpu.memory_space<semaphore_mem>>)
      tpu.wait_dma2 semaphore(%run_scoped3A : memref<!tpu.dma_semaphore, #tpu.memory_space<semaphore_mem>>) src(%arg4 : memref<16x16xf32, #tpu.memory_space<hbm>>) dst(%arg7 : memref<16x16xf32, #tpu.memory_space<vmem>>)
      tpu.yield
    }) : () -> ()
    %broadcast_in_dim3A = arith.constant 0.000000e+00 : f32
    %broadcast_in_dim3A_3 = vector.broadcast %broadcast_in_dim3A : f32 to vector<16xf32>
    %get3A = arith.constant 0 : i32
    %get3A_4 = arith.index_cast %get3A : i32 to index
    %get3A_5 = arith.constant 0 : index
    %get3A_6 = tpu.vector_load %arg6[%get3A_4, %get3A_5] {strides = array<i32>} : memref<16x16xf32, #tpu.memory_space<vmem>>, vector<1x16xf32>,
    %get3A_7 = vector.shape_cast %get3A_6 : vector<1x16xf32> to vector<16xf32>
    %get3A_8 = arith.constant 0 : i32
    %get3A_9 = arith.index_cast %get3A_8 : i32 to index
    %get3A_10 = arith.constant 0 : index
    %get3A_11 = tpu.vector_load %arg7[%get3A_9, %get3A_10] {strides = array<i32>} : memref<16x16xf32, #tpu.memory_space<vmem>>, vector<1x16xf32>,
    %get3A_12 = vector.shape_cast %get3A_11 : vector<1x16xf32> to vector<16xf32>
    %mul3A_13 = arith.mulf %get3A_7, %get3A_12 : vector<16xf32>
    %add3A_14 = arith.addf %broadcast_in_dim3A_3, %mul3A_13 : vector<16xf32>
    %get3A_15 = arith.constant 1 : i32
    %get3A_16 = arith.index_cast %get3A_15 : i32 to index
    %get3A_17 = arith.constant 0 : index
    %get3A_18 = tpu.vector_load %arg6[%get3A_16, %get3A_17] {strides = array<i32>} : memref<16x16xf32, #tpu.memory_space<vmem>>, vector<1x16xf32>,
    %get3A_19 = vector.shape_cast %get3A_18 : vector<1x16xf32> to vector<16xf32>
    %get3A_20 = arith.constant 1 : i32
    %get3A_21 = arith.index_cast %get3A_20 : i32 to index
    %get3A_22 = arith.constant 0 : index
    %get3A_23 = tpu.vector_load %arg7[%get3A_21, %get3A_22] {strides = array<i32>} : memref<16x16xf32, #tpu.memory_space<vmem>>, vector<1x16xf32>,
    %get3A_24 = vector.shape_cast %get3A_23 : vector<1x16xf32> to vector<16xf32>
    %mul3A_25 = arith.mulf %get3A_19, %get3A_24 : vector<16xf32>
    %add3A_26 = arith.addf %add3A_14, %mul3A_25 : vector<16xf32>
    %get3A_27 = arith.constant 2 : i32
    %get3A_28 = arith.index_cast %get3A_27 : i32 to index
    %get3A_29 = arith.constant 0 : index
    %get3A_30 = tpu.vector_load %arg6[%get3A_28, %get3A_29] {strides = array<i32>} : memref<16x16xf32, #tpu.memory_space<vmem>>, vector<1x16xf32>,
    %get3A_31 = vector.shape_cast %get3A_30 : vector<1x16xf32> to vector<16xf32>
    %get3A_32 = arith.constant 2 : i32
    %get3A_33 = arith.index_cast %get3A_32 : i32 to index
    %get3A_34 = arith.constant 0 : index
    %get3A_35 = tpu.vector_load %arg7[%get3A_33, %get3A_34] {strides = array<i32>} : memref<16x16xf32, #tpu.memory_space<vmem>>, vector<1x16xf32>,
    %get3A_36 = vector.shape_cast %get3A_35 : vector<1x16xf32> to vector<16xf32>
    %mul3A_37 = arith.mulf %get3A_31, %get3A_36 : vector<16xf32>
    %add3A_38 = arith.addf %add3A_26, %mul3A_37 : vector<16xf32>
    %get3A_39 = arith.constant 3 : i32
    %get3A_40 = arith.index_cast %get3A_39 : i32 to index
    %get3A_41 = arith.constant 0 : index
    %get3A_42 = tpu.vector_load %arg6[%get3A_40, %get3A_41] {strides = array<i32>} : memref<16x16xf32, #tpu.memory_space<vmem>>, vector<1x16xf32>,
    %get3A_43 = vector.shape_cast %get3A_42 : vector<1x16xf32> to vector<16xf32>
    %get3A_44 = arith.constant 3 : i32
    %get3A_45 = arith.index_cast %get3A_44 : i32 to index
    %get3A_46 = arith.constant 0 : index
    %get3A_47 = tpu.vector_load %arg7[%get3A_45, %get3A_46] {strides = array<i32>} : memref<16x16xf32, #tpu.memory_space<vmem>>, vector<1x16xf32>,
    %get3A_48 = vector.shape_cast %get3A_47 : vector<1x16xf32> to vector<16xf32>
    %mul3A_49 = arith.mulf %get3A_43, %get3A_48 : vector<16xf32>
    %add3A_50 = arith.addf %add3A_38, %mul3A_49 : vector<16xf32>
    %get3A_51 = arith.constant 4 : i32
    %get3A_52 = arith.index_cast %get3A_51 : i32 to index
    %get3A_53 = arith.constant 0 : index
    %get3A_54 = tpu.vector_load %arg6[%get3A_52, %get3A_53] {strides = array<i32>} : memref<16x16xf32, #tpu.memory_space<vmem>>, vector<1x16xf32>,
    %get3A_55 = vector.shape_cast %get3A_54 : vector<1x16xf32> to vector<16xf32>
    %get3A_56 = arith.constant 4 : i32
    %get3A_57 = arith.index_cast %get3A_56 : i32 to index
    %get3A_58 = arith.constant 0 : index
    %get3A_59 = tpu.vector_load %arg7[%get3A_57, %get3A_58] {strides = array<i32>} : memref<16x16xf32, #tpu.memory_space<vmem>>, vector<1x16xf32>,
    %get3A_60 = vector.shape_cast %get3A_59 : vector<1x16xf32> to vector<16xf32>
    %mul3A_61 = arith.mulf %get3A_55, %get3A_60 : vector<16xf32>
    %add3A_62 = arith.addf %add3A_50, %mul3A_61 : vector<16xf32>
    %get3A_63 = arith.constant 5 : i32
    %get3A_64 = arith.index_cast %get3A_63 : i32 to index
    %get3A_65 = arith.constant 0 : index
    %get3A_66 = tpu.vector_load %arg6[%get3A_64, %get3A_65] {strides = array<i32>} : memref<16x16xf32, #tpu.memory_space<vmem>>, vector<1x16xf32>,
    %get3A_67 = vector.shape_cast %get3A_66 : vector<1x16xf32> to vector<16xf32>
    %get3A_68 = arith.constant 5 : i32
    %get3A_69 = arith.index_cast %get3A_68 : i32 to index
    %get3A_70 = arith.constant 0 : index
    %get3A_71 = tpu.vector_load %arg7[%get3A_69, %get3A_70] {strides = array<i32>} : memref<16x16xf32, #tpu.memory_space<vmem>>, vector<1x16xf32>,
    %get3A_72 = vector.shape_cast %get3A_71 : vector<1x16xf32> to vector<16xf32>
    %mul3A_73 = arith.mulf %get3A_67, %get3A_72 : vector<16xf32>
    %add3A_74 = arith.addf %add3A_62, %mul3A_73 : vector<16xf32>
    %get3A_75 = arith.constant 6 : i32
    %get3A_76 = arith.index_cast %get3A_75 : i32 to index
    %get3A_77 = arith.constant 0 : index
    %get3A_78 = tpu.vector_load %arg6[%get3A_76, %get3A_77] {strides = array<i32>} : memref<16x16xf32, #tpu.memory_space<vmem>>, vector<1x16xf32>,
    %get3A_79 = vector.shape_cast %get3A_78 : vector<1x16xf32> to vector<16xf32>
    %get3A_80 = arith.constant 6 : i32
    %get3A_81 = arith.index_cast %get3A_80 : i32 to index
    %get3A_82 = arith.constant 0 : index
    %get3A_83 = tpu.vector_load %arg7[%get3A_81, %get3A_82] {strides = array<i32>} : memref<16x16xf32, #tpu.memory_space<vmem>>, vector<1x16xf32>,
    %get3A_84 = vector.shape_cast %get3A_83 : vector<1x16xf32> to vector<16xf32>
    %mul3A_85 = arith.mulf %get3A_79, %get3A_84 : vector<16xf32>
    %add3A_86 = arith.addf %add3A_74, %mul3A_85 : vector<16xf32>
    %get3A_87 = arith.constant 7 : i32
    %get3A_88 = arith.index_cast %get3A_87 : i32 to index
    %get3A_89 = arith.constant 0 : index
    %get3A_90 = tpu.vector_load %arg6[%get3A_88, %get3A_89] {strides = array<i32>} : memref<16x16xf32, #tpu.memory_space<vmem>>, vector<1x16xf32>,
    %get3A_91 = vector.shape_cast %get3A_90 : vector<1x16xf32> to vector<16xf32>
    %get3A_92 = arith.constant 7 : i32
    %get3A_93 = arith.index_cast %get3A_92 : i32 to index
    %get3A_94 = arith.constant 0 : index
    %get3A_95 = tpu.vector_load %arg7[%get3A_93, %get3A_94] {strides = array<i32>} : memref<16x16xf32, #tpu.memory_space<vmem>>, vector<1x16xf32>,
    %get3A_96 = vector.shape_cast %get3A_95 : vector<1x16xf32> to vector<16xf32>
    %mul3A_97 = arith.mulf %get3A_91, %get3A_96 : vector<16xf32>
    %add3A_98 = arith.addf %add3A_86, %mul3A_97 : vector<16xf32>
    %get3A_99 = arith.constant 8 : i32
    %get3A_100 = arith.index_cast %get3A_99 : i32 to index
    %get3A_101 = arith.constant 0 : index
    %get3A_102 = tpu.vector_load %arg6[%get3A_100, %get3A_101] {strides = array<i32>} : memref<16x16xf32, #tpu.memory_space<vmem>>, vector<1x16xf32>,
    %get3A_103 = vector.shape_cast %get3A_102 : vector<1x16xf32> to vector<16xf32>
    %get3A_104 = arith.constant 8 : i32
    %get3A_105 = arith.index_cast %get3A_104 : i32 to index
    %get3A_106 = arith.constant 0 : index
    %get3A_107 = tpu.vector_load %arg7[%get3A_105, %get3A_106] {strides = array<i32>} : memref<16x16xf32, #tpu.memory_space<vmem>>, vector<1x16xf32>,
    %get3A_108 = vector.shape_cast %get3A_107 : vector<1x16xf32> to vector<16xf32>
    %mul3A_109 = arith.mulf %get3A_103, %get3A_108 : vector<16xf32>
    %add3A_110 = arith.addf %add3A_98, %mul3A_109 : vector<16xf32>
    %get3A_111 = arith.constant 9 : i32
    %get3A_112 = arith.index_cast %get3A_111 : i32 to index
    %get3A_113 = arith.constant 0 : index
    %get3A_114 = tpu.vector_load %arg6[%get3A_112, %get3A_113] {strides = array<i32>} : memref<16x16xf32, #tpu.memory_space<vmem>>, vector<1x16xf32>,
    %get3A_115 = vector.shape_cast %get3A_114 : vector<1x16xf32> to vector<16xf32>
    %get3A_116 = arith.constant 9 : i32
    %get3A_117 = arith.index_cast %get3A_116 : i32 to index
    %get3A_118 = arith.constant 0 : index
    %get3A_119 = tpu.vector_load %arg7[%get3A_117, %get3A_118] {strides = array<i32>} : memref<16x16xf32, #tpu.memory_space<vmem>>, vector<1x16xf32>,
    %get3A_120 = vector.shape_cast %get3A_119 : vector<1x16xf32> to vector<16xf32>
    %mul3A_121 = arith.mulf %get3A_115, %get3A_120 : vector<16xf32>
    %add3A_122 = arith.addf %add3A_110, %mul3A_121 : vector<16xf32>
    %get3A_123 = arith.constant 10 : i32
    %get3A_124 = arith.index_cast %get3A_123 : i32 to index
    %get3A_125 = arith.constant 0 : index
    %get3A_126 = tpu.vector_load %arg7[%get3A_124, %get3A_125] {strides = array<i32>} : memref<16x16xf32, #tpu.memory_space<vmem>>, vector<1x16xf32>,
    %get3A_127 = vector.shape_cast %get3A_126 : vector<1x16xf32> to vector<16xf32>
    %add3A_128 = arith.addf %add3A_122, %get3A_127 : vector<16xf32>
    %neg3A = arith.constant 0.000000e+00 : f32
    %neg3A_129 = vector.broadcast %neg3A : f32 to vector<16xf32>
    %neg3A_130 = arith.subf %neg3A_129, %add3A_128 : vector<16xf32>
    %exp3A = math.exp %neg3A_130 : vector<16xf32>
    %add3A_131 = arith.constant 1.000000e+00 : f32
    %add3A_132 = vector.broadcast %add3A_131 : f32 to vector<16xf32>
    %add3A_133 = arith.addf %add3A_132, %exp3A : vector<16xf32>
    %div3A = arith.constant 1.000000e+00 : f32
    %div3A_134 = vector.broadcast %div3A : f32 to vector<16xf32>
    %div3A_135 = arith.divf %div3A_134, %add3A_133 : vector<16xf32>
    %dma_start3A = tpu.memref_slice %arg2[%mul3A_2] : memref<3276800xi32, #tpu.memory_space<hbm>> -> memref<25600xi32, #tpu.memory_space<hbm>>
    %dma_start3A_136 = tpu.memref_slice %arg2[%mul3A_2] : memref<3276800xi32, #tpu.memory_space<hbm>> -> memref<25600xi32, #tpu.memory_space<hbm>>
    tpu.enqueue_dma source(%dma_start3A_136 : memref<25600xi32, #tpu.memory_space<hbm>>) target(%arg8 : memref<25600xi32, #tpu.memory_space<vmem>>) target_semaphore(%arg12 : memref<!tpu.dma_semaphore, #tpu.memory_space<semaphore_mem>>)
    %add3A_137 = arith.constant 25600 : i32
    %add3A_138 = arith.addi %mul3A_2, %add3A_137 : i32
    %dma_start3A_139 = tpu.memref_slice %arg2[%add3A_138] : memref<3276800xi32, #tpu.memory_space<hbm>> -> memref<25600xi32, #tpu.memory_space<hbm>>
    %dma_start3A_140 = tpu.memref_slice %arg2[%add3A_138] : memref<3276800xi32, #tpu.memory_space<hbm>> -> memref<25600xi32, #tpu.memory_space<hbm>>
    tpu.enqueue_dma source(%dma_start3A_140 : memref<25600xi32, #tpu.memory_space<hbm>>) target(%arg9 : memref<25600xi32, #tpu.memory_space<vmem>>) target_semaphore(%arg13 : memref<!tpu.dma_semaphore, #tpu.memory_space<semaphore_mem>>)
    %dma_wait3A = tpu.memref_slice %arg2[%mul3A_2] : memref<3276800xi32, #tpu.memory_space<hbm>> -> memref<25600xi32, #tpu.memory_space<hbm>>
    %dma_wait3A_141 = tpu.memref_slice %arg2[%mul3A_2] : memref<3276800xi32, #tpu.memory_space<hbm>> -> memref<25600xi32, #tpu.memory_space<hbm>>
    tpu.wait_dma2 semaphore(%arg12 : memref<!tpu.dma_semaphore, #tpu.memory_space<semaphore_mem>>) src(%dma_wait3A_141 : memref<25600xi32, #tpu.memory_space<hbm>>) dst(%arg8 : memref<25600xi32, #tpu.memory_space<vmem>>)
    %scan3A = arith.constant 0 : i32
    %scan3A_142 = arith.constant 0 : i32
    %scan3A_143 = arith.constant 1600 : i32
    %scan3A_144 = arith.addi %scan3A_142, %scan3A_143 : i32
    %scan3A_145 = arith.constant 8 : i32
    scf.for %scan3A_203 = %scan3A_142 to %scan3A_144 step %scan3A_145  : i32 {
      %mul3A_204 = arith.constant 16 : i32
      %mul3A_205 = arith.muli %scan3A_203, %mul3A_204 : i32
      %get3A_206 = arith.index_cast %mul3A_205 : i32 to index
      %get3A_207 = tpu.vector_load %arg8[%get3A_206] {strides = array<i32>} : memref<25600xi32, #tpu.memory_space<vmem>>, vector<16xi32>,
      %get3A_208 = vector.shape_cast %get3A_207 : vector<16xi32> to vector<16xi32>
      %broadcast_in_dim3A_209 = vector.shape_cast %get3A_208 : vector<16xi32> to vector<16x1xi32>
      %gather3A = vector.shape_cast %broadcast_in_dim3A_209 : vector<16x1xi32> to vector<16xi32>
      %gather3A_210 = tpu.dynamic_gather %div3A_135[%gather3A] in [0] : vector<16xf32>, vector<16xi32> -> vector<16xf32>
      %mul3A_211 = arith.constant 16 : i32
      %mul3A_212 = arith.muli %scan3A_203, %mul3A_211 : i32
      %swap3A = arith.index_cast %mul3A_212 : i32 to index
      %swap3A_213 = tpu.vector_load %arg10[%swap3A] {strides = array<i32>} : memref<25600xf32, #tpu.memory_space<vmem>>, vector<16xf32>,
      %swap3A_214 = vector.shape_cast %swap3A_213 : vector<16xf32> to vector<16xf32>
      %swap3A_215 = vector.shape_cast %gather3A_210 : vector<16xf32> to vector<16xf32>
      tpu.vector_store %arg10[%swap3A], %swap3A_215 {strides = array<i32>} : memref<25600xf32, #tpu.memory_space<vmem>>, vector<16xf32>,
      %scan3A_216 = arith.constant 1 : i32
      %scan3A_217 = arith.addi %scan3A_203, %scan3A_216 : i32
      %mul3A_218 = arith.constant 16 : i32
      %mul3A_219 = arith.muli %scan3A_217, %mul3A_218 : i32
      %get3A_220 = arith.index_cast %mul3A_219 : i32 to index
      %get3A_221 = tpu.vector_load %arg8[%get3A_220] {strides = array<i32>} : memref<25600xi32, #tpu.memory_space<vmem>>, vector<16xi32>,
      %get3A_222 = vector.shape_cast %get3A_221 : vector<16xi32> to vector<16xi32>
      %broadcast_in_dim3A_223 = vector.shape_cast %get3A_222 : vector<16xi32> to vector<16x1xi32>
      %gather3A_224 = vector.shape_cast %broadcast_in_dim3A_223 : vector<16x1xi32> to vector<16xi32>
      %gather3A_225 = tpu.dynamic_gather %div3A_135[%gather3A_224] in [0] : vector<16xf32>, vector<16xi32> -> vector<16xf32>
      %mul3A_226 = arith.constant 16 : i32
      %mul3A_227 = arith.muli %scan3A_217, %mul3A_226 : i32
      %swap3A_228 = arith.index_cast %mul3A_227 : i32 to index
      %swap3A_229 = tpu.vector_load %arg10[%swap3A_228] {strides = array<i32>} : memref<25600xf32, #tpu.memory_space<vmem>>, vector<16xf32>,
      %swap3A_230 = vector.shape_cast %swap3A_229 : vector<16xf32> to vector<16xf32>
      %swap3A_231 = vector.shape_cast %gather3A_225 : vector<16xf32> to vector<16xf32>
      tpu.vector_store %arg10[%swap3A_228], %swap3A_231 {strides = array<i32>} : memref<25600xf32, #tpu.memory_space<vmem>>, vector<16xf32>,
      %scan3A_232 = arith.constant 2 : i32
      %scan3A_233 = arith.addi %scan3A_203, %scan3A_232 : i32
      %mul3A_234 = arith.constant 16 : i32
      %mul3A_235 = arith.muli %scan3A_233, %mul3A_234 : i32
      %get3A_236 = arith.index_cast %mul3A_235 : i32 to index
      %get3A_237 = tpu.vector_load %arg8[%get3A_236] {strides = array<i32>} : memref<25600xi32, #tpu.memory_space<vmem>>, vector<16xi32>,
      %get3A_238 = vector.shape_cast %get3A_237 : vector<16xi32> to vector<16xi32>
      %broadcast_in_dim3A_239 = vector.shape_cast %get3A_238 : vector<16xi32> to vector<16x1xi32>
      %gather3A_240 = vector.shape_cast %broadcast_in_dim3A_239 : vector<16x1xi32> to vector<16xi32>
      %gather3A_241 = tpu.dynamic_gather %div3A_135[%gather3A_240] in [0] : vector<16xf32>, vector<16xi32> -> vector<16xf32>
      %mul3A_242 = arith.constant 16 : i32
      %mul3A_243 = arith.muli %scan3A_233, %mul3A_242 : i32
      %swap3A_244 = arith.index_cast %mul3A_243 : i32 to index
      %swap3A_245 = tpu.vector_load %arg10[%swap3A_244] {strides = array<i32>} : memref<25600xf32, #tpu.memory_space<vmem>>, vector<16xf32>,
      %swap3A_246 = vector.shape_cast %swap3A_245 : vector<16xf32> to vector<16xf32>
      %swap3A_247 = vector.shape_cast %gather3A_241 : vector<16xf32> to vector<16xf32>
      tpu.vector_store %arg10[%swap3A_244], %swap3A_247 {strides = array<i32>} : memref<25600xf32, #tpu.memory_space<vmem>>, vector<16xf32>,
      %scan3A_248 = arith.constant 3 : i32
      %scan3A_249 = arith.addi %scan3A_203, %scan3A_248 : i32
      %mul3A_250 = arith.constant 16 : i32
      %mul3A_251 = arith.muli %scan3A_249, %mul3A_250 : i32
      %get3A_252 = arith.index_cast %mul3A_251 : i32 to index
      %get3A_253 = tpu.vector_load %arg8[%get3A_252] {strides = array<i32>} : memref<25600xi32, #tpu.memory_space<vmem>>, vector<16xi32>,
      %get3A_254 = vector.shape_cast %get3A_253 : vector<16xi32> to vector<16xi32>
      %broadcast_in_dim3A_255 = vector.shape_cast %get3A_254 : vector<16xi32> to vector<16x1xi32>
      %gather3A_256 = vector.shape_cast %broadcast_in_dim3A_255 : vector<16x1xi32> to vector<16xi32>
      %gather3A_257 = tpu.dynamic_gather %div3A_135[%gather3A_256] in [0] : vector<16xf32>, vector<16xi32> -> vector<16xf32>
      %mul3A_258 = arith.constant 16 : i32
      %mul3A_259 = arith.muli %scan3A_249, %mul3A_258 : i32
      %swap3A_260 = arith.index_cast %mul3A_259 : i32 to index
      %swap3A_261 = tpu.vector_load %arg10[%swap3A_260] {strides = array<i32>} : memref<25600xf32, #tpu.memory_space<vmem>>, vector<16xf32>,
      %swap3A_262 = vector.shape_cast %swap3A_261 : vector<16xf32> to vector<16xf32>
      %swap3A_263 = vector.shape_cast %gather3A_257 : vector<16xf32> to vector<16xf32>
      tpu.vector_store %arg10[%swap3A_260], %swap3A_263 {strides = array<i32>} : memref<25600xf32, #tpu.memory_space<vmem>>, vector<16xf32>,
      %scan3A_264 = arith.constant 4 : i32
      %scan3A_265 = arith.addi %scan3A_203, %scan3A_264 : i32
      %mul3A_266 = arith.constant 16 : i32
      %mul3A_267 = arith.muli %scan3A_265, %mul3A_266 : i32
      %get3A_268 = arith.index_cast %mul3A_267 : i32 to index
      %get3A_269 = tpu.vector_load %arg8[%get3A_268] {strides = array<i32>} : memref<25600xi32, #tpu.memory_space<vmem>>, vector<16xi32>,
      %get3A_270 = vector.shape_cast %get3A_269 : vector<16xi32> to vector<16xi32>
      %broadcast_in_dim3A_271 = vector.shape_cast %get3A_270 : vector<16xi32> to vector<16x1xi32>
      %gather3A_272 = vector.shape_cast %broadcast_in_dim3A_271 : vector<16x1xi32> to vector<16xi32>
      %gather3A_273 = tpu.dynamic_gather %div3A_135[%gather3A_272] in [0] : vector<16xf32>, vector<16xi32> -> vector<16xf32>
      %mul3A_274 = arith.constant 16 : i32
      %mul3A_275 = arith.muli %scan3A_265, %mul3A_274 : i32
      %swap3A_276 = arith.index_cast %mul3A_275 : i32 to index
      %swap3A_277 = tpu.vector_load %arg10[%swap3A_276] {strides = array<i32>} : memref<25600xf32, #tpu.memory_space<vmem>>, vector<16xf32>,
      %swap3A_278 = vector.shape_cast %swap3A_277 : vector<16xf32> to vector<16xf32>
      %swap3A_279 = vector.shape_cast %gather3A_273 : vector<16xf32> to vector<16xf32>
      tpu.vector_store %arg10[%swap3A_276], %swap3A_279 {strides = array<i32>} : memref<25600xf32, #tpu.memory_space<vmem>>, vector<16xf32>,
      %scan3A_280 = arith.constant 5 : i32
      %scan3A_281 = arith.addi %scan3A_203, %scan3A_280 : i32
      %mul3A_282 = arith.constant 16 : i32
      %mul3A_283 = arith.muli %scan3A_281, %mul3A_282 : i32
      %get3A_284 = arith.index_cast %mul3A_283 : i32 to index
      %get3A_285 = tpu.vector_load %arg8[%get3A_284] {strides = array<i32>} : memref<25600xi32, #tpu.memory_space<vmem>>, vector<16xi32>,
      %get3A_286 = vector.shape_cast %get3A_285 : vector<16xi32> to vector<16xi32>
      %broadcast_in_dim3A_287 = vector.shape_cast %get3A_286 : vector<16xi32> to vector<16x1xi32>
      %gather3A_288 = vector.shape_cast %broadcast_in_dim3A_287 : vector<16x1xi32> to vector<16xi32>
      %gather3A_289 = tpu.dynamic_gather %div3A_135[%gather3A_288] in [0] : vector<16xf32>, vector<16xi32> -> vector<16xf32>
      %mul3A_290 = arith.constant 16 : i32
      %mul3A_291 = arith.muli %scan3A_281, %mul3A_290 : i32
      %swap3A_292 = arith.index_cast %mul3A_291 : i32 to index
      %swap3A_293 = tpu.vector_load %arg10[%swap3A_292] {strides = array<i32>} : memref<25600xf32, #tpu.memory_space<vmem>>, vector<16xf32>,
      %swap3A_294 = vector.shape_cast %swap3A_293 : vector<16xf32> to vector<16xf32>
      %swap3A_295 = vector.shape_cast %gather3A_289 : vector<16xf32> to vector<16xf32>
      tpu.vector_store %arg10[%swap3A_292], %swap3A_295 {strides = array<i32>} : memref<25600xf32, #tpu.memory_space<vmem>>, vector<16xf32>,
      %scan3A_296 = arith.constant 6 : i32
      %scan3A_297 = arith.addi %scan3A_203, %scan3A_296 : i32
      %mul3A_298 = arith.constant 16 : i32
      %mul3A_299 = arith.muli %scan3A_297, %mul3A_298 : i32
      %get3A_300 = arith.index_cast %mul3A_299 : i32 to index
      %get3A_301 = tpu.vector_load %arg8[%get3A_300] {strides = array<i32>} : memref<25600xi32, #tpu.memory_space<vmem>>, vector<16xi32>,
      %get3A_302 = vector.shape_cast %get3A_301 : vector<16xi32> to vector<16xi32>
      %broadcast_in_dim3A_303 = vector.shape_cast %get3A_302 : vector<16xi32> to vector<16x1xi32>
      %gather3A_304 = vector.shape_cast %broadcast_in_dim3A_303 : vector<16x1xi32> to vector<16xi32>
      %gather3A_305 = tpu.dynamic_gather %div3A_135[%gather3A_304] in [0] : vector<16xf32>, vector<16xi32> -> vector<16xf32>
      %mul3A_306 = arith.constant 16 : i32
      %mul3A_307 = arith.muli %scan3A_297, %mul3A_306 : i32
      %swap3A_308 = arith.index_cast %mul3A_307 : i32 to index
      %swap3A_309 = tpu.vector_load %arg10[%swap3A_308] {strides = array<i32>} : memref<25600xf32, #tpu.memory_space<vmem>>, vector<16xf32>,
      %swap3A_310 = vector.shape_cast %swap3A_309 : vector<16xf32> to vector<16xf32>
      %swap3A_311 = vector.shape_cast %gather3A_305 : vector<16xf32> to vector<16xf32>
      tpu.vector_store %arg10[%swap3A_308], %swap3A_311 {strides = array<i32>} : memref<25600xf32, #tpu.memory_space<vmem>>, vector<16xf32>,
      %scan3A_312 = arith.constant 7 : i32
      %scan3A_313 = arith.addi %scan3A_203, %scan3A_312 : i32
      %mul3A_314 = arith.constant 16 : i32
      %mul3A_315 = arith.muli %scan3A_313, %mul3A_314 : i32
      %get3A_316 = arith.index_cast %mul3A_315 : i32 to index
      %get3A_317 = tpu.vector_load %arg8[%get3A_316] {strides = array<i32>} : memref<25600xi32, #tpu.memory_space<vmem>>, vector<16xi32>,
      %get3A_318 = vector.shape_cast %get3A_317 : vector<16xi32> to vector<16xi32>
      %broadcast_in_dim3A_319 = vector.shape_cast %get3A_318 : vector<16xi32> to vector<16x1xi32>
      %gather3A_320 = vector.shape_cast %broadcast_in_dim3A_319 : vector<16x1xi32> to vector<16xi32>
      %gather3A_321 = tpu.dynamic_gather %div3A_135[%gather3A_320] in [0] : vector<16xf32>, vector<16xi32> -> vector<16xf32>
      %mul3A_322 = arith.constant 16 : i32
      %mul3A_323 = arith.muli %scan3A_313, %mul3A_322 : i32
      %swap3A_324 = arith.index_cast %mul3A_323 : i32 to index
      %swap3A_325 = tpu.vector_load %arg10[%swap3A_324] {strides = array<i32>} : memref<25600xf32, #tpu.memory_space<vmem>>, vector<16xf32>,
      %swap3A_326 = vector.shape_cast %swap3A_325 : vector<16xf32> to vector<16xf32>
      %swap3A_327 = vector.shape_cast %gather3A_321 : vector<16xf32> to vector<16xf32>
      tpu.vector_store %arg10[%swap3A_324], %swap3A_327 {strides = array<i32>} : memref<25600xf32, #tpu.memory_space<vmem>>, vector<16xf32>,
    }
    %scan3A_146 = arith.constant 1600 : i32
    %add3A_147 = arith.constant 0 : i32
    %add3A_148 = arith.addi %mul3A_2, %add3A_147 : i32
    %dma_start3A_149 = tpu.memref_slice %arg5[%add3A_148] : memref<3276800xf32, #tpu.memory_space<hbm>> -> memref<25600xf32, #tpu.memory_space<hbm>>
    %dma_start3A_150 = tpu.memref_slice %arg5[%add3A_148] : memref<3276800xf32, #tpu.memory_space<hbm>> -> memref<25600xf32, #tpu.memory_space<hbm>>
    tpu.enqueue_dma source(%arg10 : memref<25600xf32, #tpu.memory_space<vmem>>) target(%dma_start3A_150 : memref<25600xf32, #tpu.memory_space<hbm>>) target_semaphore(%arg14 : memref<!tpu.dma_semaphore, #tpu.memory_space<semaphore_mem>>)
    %add3A_151 = arith.constant 51200 : i32
    %add3A_152 = arith.addi %mul3A_2, %add3A_151 : i32
    %dma_start3A_153 = tpu.memref_slice %arg2[%add3A_152] : memref<3276800xi32, #tpu.memory_space<hbm>> -> memref<25600xi32, #tpu.memory_space<hbm>>
    %dma_start3A_154 = tpu.memref_slice %arg2[%add3A_152] : memref<3276800xi32, #tpu.memory_space<hbm>> -> memref<25600xi32, #tpu.memory_space<hbm>>
    tpu.enqueue_dma source(%dma_start3A_154 : memref<25600xi32, #tpu.memory_space<hbm>>) target(%arg8 : memref<25600xi32, #tpu.memory_space<vmem>>) target_semaphore(%arg12 : memref<!tpu.dma_semaphore, #tpu.memory_space<semaphore_mem>>)
    %dma_wait3A_155 = tpu.memref_slice %arg2[%add3A_138] : memref<3276800xi32, #tpu.memory_space<hbm>> -> memref<25600xi32, #tpu.memory_space<hbm>>
    %dma_wait3A_156 = tpu.memref_slice %arg2[%add3A_138] : memref<3276800xi32, #tpu.memory_space<hbm>> -> memref<25600xi32, #tpu.memory_space<hbm>>
    tpu.wait_dma2 semaphore(%arg13 : memref<!tpu.dma_semaphore, #tpu.memory_space<semaphore_mem>>) src(%dma_wait3A_156 : memref<25600xi32, #tpu.memory_space<hbm>>) dst(%arg9 : memref<25600xi32, #tpu.memory_space<vmem>>)
    %scan3A_157 = arith.constant 0 : i32
    %scan3A_158 = arith.constant 0 : i32
    %scan3A_159 = arith.constant 1600 : i32
    %scan3A_160 = arith.addi %scan3A_158, %scan3A_159 : i32
    %scan3A_161 = arith.constant 8 : i32
    scf.for %scan3A_203 = %scan3A_158 to %scan3A_160 step %scan3A_161  : i32 {
      %mul3A_204 = arith.constant 16 : i32
      %mul3A_205 = arith.muli %scan3A_203, %mul3A_204 : i32
      %get3A_206 = arith.index_cast %mul3A_205 : i32 to index
      %get3A_207 = tpu.vector_load %arg9[%get3A_206] {strides = array<i32>} : memref<25600xi32, #tpu.memory_space<vmem>>, vector<16xi32>,
      %get3A_208 = vector.shape_cast %get3A_207 : vector<16xi32> to vector<16xi32>
      %broadcast_in_dim3A_209 = vector.shape_cast %get3A_208 : vector<16xi32> to vector<16x1xi32>
      %gather3A = vector.shape_cast %broadcast_in_dim3A_209 : vector<16x1xi32> to vector<16xi32>
      %gather3A_210 = tpu.dynamic_gather %div3A_135[%gather3A] in [0] : vector<16xf32>, vector<16xi32> -> vector<16xf32>
      %mul3A_211 = arith.constant 16 : i32
      %mul3A_212 = arith.muli %scan3A_203, %mul3A_211 : i32
      %swap3A = arith.index_cast %mul3A_212 : i32 to index
      %swap3A_213 = tpu.vector_load %arg11[%swap3A] {strides = array<i32>} : memref<25600xf32, #tpu.memory_space<vmem>>, vector<16xf32>,
      %swap3A_214 = vector.shape_cast %swap3A_213 : vector<16xf32> to vector<16xf32>
      %swap3A_215 = vector.shape_cast %gather3A_210 : vector<16xf32> to vector<16xf32>
      tpu.vector_store %arg11[%swap3A], %swap3A_215 {strides = array<i32>} : memref<25600xf32, #tpu.memory_space<vmem>>, vector<16xf32>,
      %scan3A_216 = arith.constant 1 : i32
      %scan3A_217 = arith.addi %scan3A_203, %scan3A_216 : i32
      %mul3A_218 = arith.constant 16 : i32
      %mul3A_219 = arith.muli %scan3A_217, %mul3A_218 : i32
      %get3A_220 = arith.index_cast %mul3A_219 : i32 to index
      %get3A_221 = tpu.vector_load %arg9[%get3A_220] {strides = array<i32>} : memref<25600xi32, #tpu.memory_space<vmem>>, vector<16xi32>,
      %get3A_222 = vector.shape_cast %get3A_221 : vector<16xi32> to vector<16xi32>
      %broadcast_in_dim3A_223 = vector.shape_cast %get3A_222 : vector<16xi32> to vector<16x1xi32>
      %gather3A_224 = vector.shape_cast %broadcast_in_dim3A_223 : vector<16x1xi32> to vector<16xi32>
      %gather3A_225 = tpu.dynamic_gather %div3A_135[%gather3A_224] in [0] : vector<16xf32>, vector<16xi32> -> vector<16xf32>
      %mul3A_226 = arith.constant 16 : i32
      %mul3A_227 = arith.muli %scan3A_217, %mul3A_226 : i32
      %swap3A_228 = arith.index_cast %mul3A_227 : i32 to index
      %swap3A_229 = tpu.vector_load %arg11[%swap3A_228] {strides = array<i32>} : memref<25600xf32, #tpu.memory_space<vmem>>, vector<16xf32>,
      %swap3A_230 = vector.shape_cast %swap3A_229 : vector<16xf32> to vector<16xf32>
      %swap3A_231 = vector.shape_cast %gather3A_225 : vector<16xf32> to vector<16xf32>
      tpu.vector_store %arg11[%swap3A_228], %swap3A_231 {strides = array<i32>} : memref<25600xf32, #tpu.memory_space<vmem>>, vector<16xf32>,
      %scan3A_232 = arith.constant 2 : i32
      %scan3A_233 = arith.addi %scan3A_203, %scan3A_232 : i32
      %mul3A_234 = arith.constant 16 : i32
      %mul3A_235 = arith.muli %scan3A_233, %mul3A_234 : i32
      %get3A_236 = arith.index_cast %mul3A_235 : i32 to index
      %get3A_237 = tpu.vector_load %arg9[%get3A_236] {strides = array<i32>} : memref<25600xi32, #tpu.memory_space<vmem>>, vector<16xi32>,
      %get3A_238 = vector.shape_cast %get3A_237 : vector<16xi32> to vector<16xi32>
      %broadcast_in_dim3A_239 = vector.shape_cast %get3A_238 : vector<16xi32> to vector<16x1xi32>
      %gather3A_240 = vector.shape_cast %broadcast_in_dim3A_239 : vector<16x1xi32> to vector<16xi32>
      %gather3A_241 = tpu.dynamic_gather %div3A_135[%gather3A_240] in [0] : vector<16xf32>, vector<16xi32> -> vector<16xf32>
      %mul3A_242 = arith.constant 16 : i32
      %mul3A_243 = arith.muli %scan3A_233, %mul3A_242 : i32
      %swap3A_244 = arith.index_cast %mul3A_243 : i32 to index
      %swap3A_245 = tpu.vector_load %arg11[%swap3A_244] {strides = array<i32>} : memref<25600xf32, #tpu.memory_space<vmem>>, vector<16xf32>,
      %swap3A_246 = vector.shape_cast %swap3A_245 : vector<16xf32> to vector<16xf32>
      %swap3A_247 = vector.shape_cast %gather3A_241 : vector<16xf32> to vector<16xf32>
      tpu.vector_store %arg11[%swap3A_244], %swap3A_247 {strides = array<i32>} : memref<25600xf32, #tpu.memory_space<vmem>>, vector<16xf32>,
      %scan3A_248 = arith.constant 3 : i32
      %scan3A_249 = arith.addi %scan3A_203, %scan3A_248 : i32
      %mul3A_250 = arith.constant 16 : i32
      %mul3A_251 = arith.muli %scan3A_249, %mul3A_250 : i32
      %get3A_252 = arith.index_cast %mul3A_251 : i32 to index
      %get3A_253 = tpu.vector_load %arg9[%get3A_252] {strides = array<i32>} : memref<25600xi32, #tpu.memory_space<vmem>>, vector<16xi32>,
      %get3A_254 = vector.shape_cast %get3A_253 : vector<16xi32> to vector<16xi32>
      %broadcast_in_dim3A_255 = vector.shape_cast %get3A_254 : vector<16xi32> to vector<16x1xi32>
      %gather3A_256 = vector.shape_cast %broadcast_in_dim3A_255 : vector<16x1xi32> to vector<16xi32>
      %gather3A_257 = tpu.dynamic_gather %div3A_135[%gather3A_256] in [0] : vector<16xf32>, vector<16xi32> -> vector<16xf32>
      %mul3A_258 = arith.constant 16 : i32
      %mul3A_259 = arith.muli %scan3A_249, %mul3A_258 : i32
      %swap3A_260 = arith.index_cast %mul3A_259 : i32 to index
      %swap3A_261 = tpu.vector_load %arg11[%swap3A_260] {strides = array<i32>} : memref<25600xf32, #tpu.memory_space<vmem>>, vector<16xf32>,
      %swap3A_262 = vector.shape_cast %swap3A_261 : vector<16xf32> to vector<16xf32>
      %swap3A_263 = vector.shape_cast %gather3A_257 : vector<16xf32> to vector<16xf32>
      tpu.vector_store %arg11[%swap3A_260], %swap3A_263 {strides = array<i32>} : memref<25600xf32, #tpu.memory_space<vmem>>, vector<16xf32>,
      %scan3A_264 = arith.constant 4 : i32
      %scan3A_265 = arith.addi %scan3A_203, %scan3A_264 : i32
      %mul3A_266 = arith.constant 16 : i32
      %mul3A_267 = arith.muli %scan3A_265, %mul3A_266 : i32
      %get3A_268 = arith.index_cast %mul3A_267 : i32 to index
      %get3A_269 = tpu.vector_load %arg9[%get3A_268] {strides = array<i32>} : memref<25600xi32, #tpu.memory_space<vmem>>, vector<16xi32>,
      %get3A_270 = vector.shape_cast %get3A_269 : vector<16xi32> to vector<16xi32>
      %broadcast_in_dim3A_271 = vector.shape_cast %get3A_270 : vector<16xi32> to vector<16x1xi32>
      %gather3A_272 = vector.shape_cast %broadcast_in_dim3A_271 : vector<16x1xi32> to vector<16xi32>
      %gather3A_273 = tpu.dynamic_gather %div3A_135[%gather3A_272] in [0] : vector<16xf32>, vector<16xi32> -> vector<16xf32>
      %mul3A_274 = arith.constant 16 : i32
      %mul3A_275 = arith.muli %scan3A_265, %mul3A_274 : i32
      %swap3A_276 = arith.index_cast %mul3A_275 : i32 to index
      %swap3A_277 = tpu.vector_load %arg11[%swap3A_276] {strides = array<i32>} : memref<25600xf32, #tpu.memory_space<vmem>>, vector<16xf32>,
      %swap3A_278 = vector.shape_cast %swap3A_277 : vector<16xf32> to vector<16xf32>
      %swap3A_279 = vector.shape_cast %gather3A_273 : vector<16xf32> to vector<16xf32>
      tpu.vector_store %arg11[%swap3A_276], %swap3A_279 {strides = array<i32>} : memref<25600xf32, #tpu.memory_space<vmem>>, vector<16xf32>,
      %scan3A_280 = arith.constant 5 : i32
      %scan3A_281 = arith.addi %scan3A_203, %scan3A_280 : i32
      %mul3A_282 = arith.constant 16 : i32
      %mul3A_283 = arith.muli %scan3A_281, %mul3A_282 : i32
      %get3A_284 = arith.index_cast %mul3A_283 : i32 to index
      %get3A_285 = tpu.vector_load %arg9[%get3A_284] {strides = array<i32>} : memref<25600xi32, #tpu.memory_space<vmem>>, vector<16xi32>,
      %get3A_286 = vector.shape_cast %get3A_285 : vector<16xi32> to vector<16xi32>
      %broadcast_in_dim3A_287 = vector.shape_cast %get3A_286 : vector<16xi32> to vector<16x1xi32>
      %gather3A_288 = vector.shape_cast %broadcast_in_dim3A_287 : vector<16x1xi32> to vector<16xi32>
      %gather3A_289 = tpu.dynamic_gather %div3A_135[%gather3A_288] in [0] : vector<16xf32>, vector<16xi32> -> vector<16xf32>
      %mul3A_290 = arith.constant 16 : i32
      %mul3A_291 = arith.muli %scan3A_281, %mul3A_290 : i32
      %swap3A_292 = arith.index_cast %mul3A_291 : i32 to index
      %swap3A_293 = tpu.vector_load %arg11[%swap3A_292] {strides = array<i32>} : memref<25600xf32, #tpu.memory_space<vmem>>, vector<16xf32>,
      %swap3A_294 = vector.shape_cast %swap3A_293 : vector<16xf32> to vector<16xf32>
      %swap3A_295 = vector.shape_cast %gather3A_289 : vector<16xf32> to vector<16xf32>
      tpu.vector_store %arg11[%swap3A_292], %swap3A_295 {strides = array<i32>} : memref<25600xf32, #tpu.memory_space<vmem>>, vector<16xf32>,
      %scan3A_296 = arith.constant 6 : i32
      %scan3A_297 = arith.addi %scan3A_203, %scan3A_296 : i32
      %mul3A_298 = arith.constant 16 : i32
      %mul3A_299 = arith.muli %scan3A_297, %mul3A_298 : i32
      %get3A_300 = arith.index_cast %mul3A_299 : i32 to index
      %get3A_301 = tpu.vector_load %arg9[%get3A_300] {strides = array<i32>} : memref<25600xi32, #tpu.memory_space<vmem>>, vector<16xi32>,
      %get3A_302 = vector.shape_cast %get3A_301 : vector<16xi32> to vector<16xi32>
      %broadcast_in_dim3A_303 = vector.shape_cast %get3A_302 : vector<16xi32> to vector<16x1xi32>
      %gather3A_304 = vector.shape_cast %broadcast_in_dim3A_303 : vector<16x1xi32> to vector<16xi32>
      %gather3A_305 = tpu.dynamic_gather %div3A_135[%gather3A_304] in [0] : vector<16xf32>, vector<16xi32> -> vector<16xf32>
      %mul3A_306 = arith.constant 16 : i32
      %mul3A_307 = arith.muli %scan3A_297, %mul3A_306 : i32
      %swap3A_308 = arith.index_cast %mul3A_307 : i32 to index
      %swap3A_309 = tpu.vector_load %arg11[%swap3A_308] {strides = array<i32>} : memref<25600xf32, #tpu.memory_space<vmem>>, vector<16xf32>,
      %swap3A_310 = vector.shape_cast %swap3A_309 : vector<16xf32> to vector<16xf32>
      %swap3A_311 = vector.shape_cast %gather3A_305 : vector<16xf32> to vector<16xf32>
      tpu.vector_store %arg11[%swap3A_308], %swap3A_311 {strides = array<i32>} : memref<25600xf32, #tpu.memory_space<vmem>>, vector<16xf32>,
      %scan3A_312 = arith.constant 7 : i32
      %scan3A_313 = arith.addi %scan3A_203, %scan3A_312 : i32
      %mul3A_314 = arith.constant 16 : i32
      %mul3A_315 = arith.muli %scan3A_313, %mul3A_314 : i32
      %get3A_316 = arith.index_cast %mul3A_315 : i32 to index
      %get3A_317 = tpu.vector_load %arg9[%get3A_316] {strides = array<i32>} : memref<25600xi32, #tpu.memory_space<vmem>>, vector<16xi32>,
      %get3A_318 = vector.shape_cast %get3A_317 : vector<16xi32> to vector<16xi32>
      %broadcast_in_dim3A_319 = vector.shape_cast %get3A_318 : vector<16xi32> to vector<16x1xi32>
      %gather3A_320 = vector.shape_cast %broadcast_in_dim3A_319 : vector<16x1xi32> to vector<16xi32>
      %gather3A_321 = tpu.dynamic_gather %div3A_135[%gather3A_320] in [0] : vector<16xf32>, vector<16xi32> -> vector<16xf32>
      %mul3A_322 = arith.constant 16 : i32
      %mul3A_323 = arith.muli %scan3A_313, %mul3A_322 : i32
      %swap3A_324 = arith.index_cast %mul3A_323 : i32 to index
      %swap3A_325 = tpu.vector_load %arg11[%swap3A_324] {strides = array<i32>} : memref<25600xf32, #tpu.memory_space<vmem>>, vector<16xf32>,
      %swap3A_326 = vector.shape_cast %swap3A_325 : vector<16xf32> to vector<16xf32>
      %swap3A_327 = vector.shape_cast %gather3A_321 : vector<16xf32> to vector<16xf32>
      tpu.vector_store %arg11[%swap3A_324], %swap3A_327 {strides = array<i32>} : memref<25600xf32, #tpu.memory_space<vmem>>, vector<16xf32>,
    }
    %scan3A_162 = arith.constant 1600 : i32
    %add3A_163 = arith.constant 25600 : i32
    %add3A_164 = arith.addi %mul3A_2, %add3A_163 : i32
    %dma_start3A_165 = tpu.memref_slice %arg5[%add3A_164] : memref<3276800xf32, #tpu.memory_space<hbm>> -> memref<25600xf32, #tpu.memory_space<hbm>>
    %dma_start3A_166 = tpu.memref_slice %arg5[%add3A_164] : memref<3276800xf32, #tpu.memory_space<hbm>> -> memref<25600xf32, #tpu.memory_space<hbm>>
    tpu.enqueue_dma source(%arg11 : memref<25600xf32, #tpu.memory_space<vmem>>) target(%dma_start3A_166 : memref<25600xf32, #tpu.memory_space<hbm>>) target_semaphore(%arg15 : memref<!tpu.dma_semaphore, #tpu.memory_space<semaphore_mem>>)
    %add3A_167 = arith.constant 76800 : i32
    %add3A_168 = arith.addi %mul3A_2, %add3A_167 : i32
    %dma_start3A_169 = tpu.memref_slice %arg2[%add3A_168] : memref<3276800xi32, #tpu.memory_space<hbm>> -> memref<25600xi32, #tpu.memory_space<hbm>>
    %dma_start3A_170 = tpu.memref_slice %arg2[%add3A_168] : memref<3276800xi32, #tpu.memory_space<hbm>> -> memref<25600xi32, #tpu.memory_space<hbm>>
    tpu.enqueue_dma source(%dma_start3A_170 : memref<25600xi32, #tpu.memory_space<hbm>>) target(%arg9 : memref<25600xi32, #tpu.memory_space<vmem>>) target_semaphore(%arg13 : memref<!tpu.dma_semaphore, #tpu.memory_space<semaphore_mem>>)
    %dma_wait3A_171 = tpu.memref_slice %arg2[%add3A_152] : memref<3276800xi32, #tpu.memory_space<hbm>> -> memref<25600xi32, #tpu.memory_space<hbm>>
    %dma_wait3A_172 = tpu.memref_slice %arg2[%add3A_152] : memref<3276800xi32, #tpu.memory_space<hbm>> -> memref<25600xi32, #tpu.memory_space<hbm>>
    tpu.wait_dma2 semaphore(%arg12 : memref<!tpu.dma_semaphore, #tpu.memory_space<semaphore_mem>>) src(%dma_wait3A_172 : memref<25600xi32, #tpu.memory_space<hbm>>) dst(%arg8 : memref<25600xi32, #tpu.memory_space<vmem>>)
    %dma_wait3A_173 = tpu.memref_slice %arg5[%add3A_148] : memref<3276800xf32, #tpu.memory_space<hbm>> -> memref<25600xf32, #tpu.memory_space<hbm>>
    %dma_wait3A_174 = tpu.memref_slice %arg5[%add3A_148] : memref<3276800xf32, #tpu.memory_space<hbm>> -> memref<25600xf32, #tpu.memory_space<hbm>>
    tpu.wait_dma2 semaphore(%arg14 : memref<!tpu.dma_semaphore, #tpu.memory_space<semaphore_mem>>) src(%arg10 : memref<25600xf32, #tpu.memory_space<vmem>>) dst(%dma_wait3A_174 : memref<25600xf32, #tpu.memory_space<hbm>>)
    %scan3A_175 = arith.constant 0 : i32
    %scan3A_176 = arith.constant 0 : i32
    %scan3A_177 = arith.constant 1600 : i32
    %scan3A_178 = arith.addi %scan3A_176, %scan3A_177 : i32
    %scan3A_179 = arith.constant 8 : i32
    scf.for %scan3A_203 = %scan3A_176 to %scan3A_178 step %scan3A_179  : i32 {
      %mul3A_204 = arith.constant 16 : i32
      %mul3A_205 = arith.muli %scan3A_203, %mul3A_204 : i32
      %get3A_206 = arith.index_cast %mul3A_205 : i32 to index
      %get3A_207 = tpu.vector_load %arg8[%get3A_206] {strides = array<i32>} : memref<25600xi32, #tpu.memory_space<vmem>>, vector<16xi32>,
      %get3A_208 = vector.shape_cast %get3A_207 : vector<16xi32> to vector<16xi32>
      %broadcast_in_dim3A_209 = vector.shape_cast %get3A_208 : vector<16xi32> to vector<16x1xi32>
      %gather3A = vector.shape_cast %broadcast_in_dim3A_209 : vector<16x1xi32> to vector<16xi32>
      %gather3A_210 = tpu.dynamic_gather %div3A_135[%gather3A] in [0] : vector<16xf32>, vector<16xi32> -> vector<16xf32>
      %mul3A_211 = arith.constant 16 : i32
      %mul3A_212 = arith.muli %scan3A_203, %mul3A_211 : i32
      %swap3A = arith.index_cast %mul3A_212 : i32 to index
      %swap3A_213 = tpu.vector_load %arg10[%swap3A] {strides = array<i32>} : memref<25600xf32, #tpu.memory_space<vmem>>, vector<16xf32>,
      %swap3A_214 = vector.shape_cast %swap3A_213 : vector<16xf32> to vector<16xf32>
      %swap3A_215 = vector.shape_cast %gather3A_210 : vector<16xf32> to vector<16xf32>
      tpu.vector_store %arg10[%swap3A], %swap3A_215 {strides = array<i32>} : memref<25600xf32, #tpu.memory_space<vmem>>, vector<16xf32>,
      %scan3A_216 = arith.constant 1 : i32
      %scan3A_217 = arith.addi %scan3A_203, %scan3A_216 : i32
      %mul3A_218 = arith.constant 16 : i32
      %mul3A_219 = arith.muli %scan3A_217, %mul3A_218 : i32
      %get3A_220 = arith.index_cast %mul3A_219 : i32 to index
      %get3A_221 = tpu.vector_load %arg8[%get3A_220] {strides = array<i32>} : memref<25600xi32, #tpu.memory_space<vmem>>, vector<16xi32>,
      %get3A_222 = vector.shape_cast %get3A_221 : vector<16xi32> to vector<16xi32>
      %broadcast_in_dim3A_223 = vector.shape_cast %get3A_222 : vector<16xi32> to vector<16x1xi32>
      %gather3A_224 = vector.shape_cast %broadcast_in_dim3A_223 : vector<16x1xi32> to vector<16xi32>
      %gather3A_225 = tpu.dynamic_gather %div3A_135[%gather3A_224] in [0] : vector<16xf32>, vector<16xi32> -> vector<16xf32>
      %mul3A_226 = arith.constant 16 : i32
      %mul3A_227 = arith.muli %scan3A_217, %mul3A_226 : i32
      %swap3A_228 = arith.index_cast %mul3A_227 : i32 to index
      %swap3A_229 = tpu.vector_load %arg10[%swap3A_228] {strides = array<i32>} : memref<25600xf32, #tpu.memory_space<vmem>>, vector<16xf32>,
      %swap3A_230 = vector.shape_cast %swap3A_229 : vector<16xf32> to vector<16xf32>
      %swap3A_231 = vector.shape_cast %gather3A_225 : vector<16xf32> to vector<16xf32>
      tpu.vector_store %arg10[%swap3A_228], %swap3A_231 {strides = array<i32>} : memref<25600xf32, #tpu.memory_space<vmem>>, vector<16xf32>,
      %scan3A_232 = arith.constant 2 : i32
      %scan3A_233 = arith.addi %scan3A_203, %scan3A_232 : i32
      %mul3A_234 = arith.constant 16 : i32
      %mul3A_235 = arith.muli %scan3A_233, %mul3A_234 : i32
      %get3A_236 = arith.index_cast %mul3A_235 : i32 to index
      %get3A_237 = tpu.vector_load %arg8[%get3A_236] {strides = array<i32>} : memref<25600xi32, #tpu.memory_space<vmem>>, vector<16xi32>,
      %get3A_238 = vector.shape_cast %get3A_237 : vector<16xi32> to vector<16xi32>
      %broadcast_in_dim3A_239 = vector.shape_cast %get3A_238 : vector<16xi32> to vector<16x1xi32>
      %gather3A_240 = vector.shape_cast %broadcast_in_dim3A_239 : vector<16x1xi32> to vector<16xi32>
      %gather3A_241 = tpu.dynamic_gather %div3A_135[%gather3A_240] in [0] : vector<16xf32>, vector<16xi32> -> vector<16xf32>
      %mul3A_242 = arith.constant 16 : i32
      %mul3A_243 = arith.muli %scan3A_233, %mul3A_242 : i32
      %swap3A_244 = arith.index_cast %mul3A_243 : i32 to index
      %swap3A_245 = tpu.vector_load %arg10[%swap3A_244] {strides = array<i32>} : memref<25600xf32, #tpu.memory_space<vmem>>, vector<16xf32>,
      %swap3A_246 = vector.shape_cast %swap3A_245 : vector<16xf32> to vector<16xf32>
      %swap3A_247 = vector.shape_cast %gather3A_241 : vector<16xf32> to vector<16xf32>
      tpu.vector_store %arg10[%swap3A_244], %swap3A_247 {strides = array<i32>} : memref<25600xf32, #tpu.memory_space<vmem>>, vector<16xf32>,
      %scan3A_248 = arith.constant 3 : i32
      %scan3A_249 = arith.addi %scan3A_203, %scan3A_248 : i32
      %mul3A_250 = arith.constant 16 : i32
      %mul3A_251 = arith.muli %scan3A_249, %mul3A_250 : i32
      %get3A_252 = arith.index_cast %mul3A_251 : i32 to index
      %get3A_253 = tpu.vector_load %arg8[%get3A_252] {strides = array<i32>} : memref<25600xi32, #tpu.memory_space<vmem>>, vector<16xi32>,
      %get3A_254 = vector.shape_cast %get3A_253 : vector<16xi32> to vector<16xi32>
      %broadcast_in_dim3A_255 = vector.shape_cast %get3A_254 : vector<16xi32> to vector<16x1xi32>
      %gather3A_256 = vector.shape_cast %broadcast_in_dim3A_255 : vector<16x1xi32> to vector<16xi32>
      %gather3A_257 = tpu.dynamic_gather %div3A_135[%gather3A_256] in [0] : vector<16xf32>, vector<16xi32> -> vector<16xf32>
      %mul3A_258 = arith.constant 16 : i32
      %mul3A_259 = arith.muli %scan3A_249, %mul3A_258 : i32
      %swap3A_260 = arith.index_cast %mul3A_259 : i32 to index
      %swap3A_261 = tpu.vector_load %arg10[%swap3A_260] {strides = array<i32>} : memref<25600xf32, #tpu.memory_space<vmem>>, vector<16xf32>,
      %swap3A_262 = vector.shape_cast %swap3A_261 : vector<16xf32> to vector<16xf32>
      %swap3A_263 = vector.shape_cast %gather3A_257 : vector<16xf32> to vector<16xf32>
      tpu.vector_store %arg10[%swap3A_260], %swap3A_263 {strides = array<i32>} : memref<25600xf32, #tpu.memory_space<vmem>>, vector<16xf32>,
      %scan3A_264 = arith.constant 4 : i32
      %scan3A_265 = arith.addi %scan3A_203, %scan3A_264 : i32
      %mul3A_266 = arith.constant 16 : i32
      %mul3A_267 = arith.muli %scan3A_265, %mul3A_266 : i32
      %get3A_268 = arith.index_cast %mul3A_267 : i32 to index
      %get3A_269 = tpu.vector_load %arg8[%get3A_268] {strides = array<i32>} : memref<25600xi32, #tpu.memory_space<vmem>>, vector<16xi32>,
      %get3A_270 = vector.shape_cast %get3A_269 : vector<16xi32> to vector<16xi32>
      %broadcast_in_dim3A_271 = vector.shape_cast %get3A_270 : vector<16xi32> to vector<16x1xi32>
      %gather3A_272 = vector.shape_cast %broadcast_in_dim3A_271 : vector<16x1xi32> to vector<16xi32>
      %gather3A_273 = tpu.dynamic_gather %div3A_135[%gather3A_272] in [0] : vector<16xf32>, vector<16xi32> -> vector<16xf32>
      %mul3A_274 = arith.constant 16 : i32
      %mul3A_275 = arith.muli %scan3A_265, %mul3A_274 : i32
      %swap3A_276 = arith.index_cast %mul3A_275 : i32 to index
      %swap3A_277 = tpu.vector_load %arg10[%swap3A_276] {strides = array<i32>} : memref<25600xf32, #tpu.memory_space<vmem>>, vector<16xf32>,
      %swap3A_278 = vector.shape_cast %swap3A_277 : vector<16xf32> to vector<16xf32>
      %swap3A_279 = vector.shape_cast %gather3A_273 : vector<16xf32> to vector<16xf32>
      tpu.vector_store %arg10[%swap3A_276], %swap3A_279 {strides = array<i32>} : memref<25600xf32, #tpu.memory_space<vmem>>, vector<16xf32>,
      %scan3A_280 = arith.constant 5 : i32
      %scan3A_281 = arith.addi %scan3A_203, %scan3A_280 : i32
      %mul3A_282 = arith.constant 16 : i32
      %mul3A_283 = arith.muli %scan3A_281, %mul3A_282 : i32
      %get3A_284 = arith.index_cast %mul3A_283 : i32 to index
      %get3A_285 = tpu.vector_load %arg8[%get3A_284] {strides = array<i32>} : memref<25600xi32, #tpu.memory_space<vmem>>, vector<16xi32>,
      %get3A_286 = vector.shape_cast %get3A_285 : vector<16xi32> to vector<16xi32>
      %broadcast_in_dim3A_287 = vector.shape_cast %get3A_286 : vector<16xi32> to vector<16x1xi32>
      %gather3A_288 = vector.shape_cast %broadcast_in_dim3A_287 : vector<16x1xi32> to vector<16xi32>
      %gather3A_289 = tpu.dynamic_gather %div3A_135[%gather3A_288] in [0] : vector<16xf32>, vector<16xi32> -> vector<16xf32>
      %mul3A_290 = arith.constant 16 : i32
      %mul3A_291 = arith.muli %scan3A_281, %mul3A_290 : i32
      %swap3A_292 = arith.index_cast %mul3A_291 : i32 to index
      %swap3A_293 = tpu.vector_load %arg10[%swap3A_292] {strides = array<i32>} : memref<25600xf32, #tpu.memory_space<vmem>>, vector<16xf32>,
      %swap3A_294 = vector.shape_cast %swap3A_293 : vector<16xf32> to vector<16xf32>
      %swap3A_295 = vector.shape_cast %gather3A_289 : vector<16xf32> to vector<16xf32>
      tpu.vector_store %arg10[%swap3A_292], %swap3A_295 {strides = array<i32>} : memref<25600xf32, #tpu.memory_space<vmem>>, vector<16xf32>,
      %scan3A_296 = arith.constant 6 : i32
      %scan3A_297 = arith.addi %scan3A_203, %scan3A_296 : i32
      %mul3A_298 = arith.constant 16 : i32
      %mul3A_299 = arith.muli %scan3A_297, %mul3A_298 : i32
      %get3A_300 = arith.index_cast %mul3A_299 : i32 to index
      %get3A_301 = tpu.vector_load %arg8[%get3A_300] {strides = array<i32>} : memref<25600xi32, #tpu.memory_space<vmem>>, vector<16xi32>,
      %get3A_302 = vector.shape_cast %get3A_301 : vector<16xi32> to vector<16xi32>
      %broadcast_in_dim3A_303 = vector.shape_cast %get3A_302 : vector<16xi32> to vector<16x1xi32>
      %gather3A_304 = vector.shape_cast %broadcast_in_dim3A_303 : vector<16x1xi32> to vector<16xi32>
      %gather3A_305 = tpu.dynamic_gather %div3A_135[%gather3A_304] in [0] : vector<16xf32>, vector<16xi32> -> vector<16xf32>
      %mul3A_306 = arith.constant 16 : i32
      %mul3A_307 = arith.muli %scan3A_297, %mul3A_306 : i32
      %swap3A_308 = arith.index_cast %mul3A_307 : i32 to index
      %swap3A_309 = tpu.vector_load %arg10[%swap3A_308] {strides = array<i32>} : memref<25600xf32, #tpu.memory_space<vmem>>, vector<16xf32>,
      %swap3A_310 = vector.shape_cast %swap3A_309 : vector<16xf32> to vector<16xf32>
      %swap3A_311 = vector.shape_cast %gather3A_305 : vector<16xf32> to vector<16xf32>
      tpu.vector_store %arg10[%swap3A_308], %swap3A_311 {strides = array<i32>} : memref<25600xf32, #tpu.memory_space<vmem>>, vector<16xf32>,
      %scan3A_312 = arith.constant 7 : i32
      %scan3A_313 = arith.addi %scan3A_203, %scan3A_312 : i32
      %mul3A_314 = arith.constant 16 : i32
      %mul3A_315 = arith.muli %scan3A_313, %mul3A_314 : i32
      %get3A_316 = arith.index_cast %mul3A_315 : i32 to index
      %get3A_317 = tpu.vector_load %arg8[%get3A_316] {strides = array<i32>} : memref<25600xi32, #tpu.memory_space<vmem>>, vector<16xi32>,
      %get3A_318 = vector.shape_cast %get3A_317 : vector<16xi32> to vector<16xi32>
      %broadcast_in_dim3A_319 = vector.shape_cast %get3A_318 : vector<16xi32> to vector<16x1xi32>
      %gather3A_320 = vector.shape_cast %broadcast_in_dim3A_319 : vector<16x1xi32> to vector<16xi32>
      %gather3A_321 = tpu.dynamic_gather %div3A_135[%gather3A_320] in [0] : vector<16xf32>, vector<16xi32> -> vector<16xf32>
      %mul3A_322 = arith.constant 16 : i32
      %mul3A_323 = arith.muli %scan3A_313, %mul3A_322 : i32
      %swap3A_324 = arith.index_cast %mul3A_323 : i32 to index
      %swap3A_325 = tpu.vector_load %arg10[%swap3A_324] {strides = array<i32>} : memref<25600xf32, #tpu.memory_space<vmem>>, vector<16xf32>,
      %swap3A_326 = vector.shape_cast %swap3A_325 : vector<16xf32> to vector<16xf32>
      %swap3A_327 = vector.shape_cast %gather3A_321 : vector<16xf32> to vector<16xf32>
      tpu.vector_store %arg10[%swap3A_324], %swap3A_327 {strides = array<i32>} : memref<25600xf32, #tpu.memory_space<vmem>>, vector<16xf32>,
    }
    %scan3A_180 = arith.constant 1600 : i32
    %add3A_181 = arith.constant 51200 : i32
    %add3A_182 = arith.addi %mul3A_2, %add3A_181 : i32
    %dma_start3A_183 = tpu.memref_slice %arg5[%add3A_182] : memref<3276800xf32, #tpu.memory_space<hbm>> -> memref<25600xf32, #tpu.memory_space<hbm>>
    %dma_start3A_184 = tpu.memref_slice %arg5[%add3A_182] : memref<3276800xf32, #tpu.memory_space<hbm>> -> memref<25600xf32, #tpu.memory_space<hbm>>
    tpu.enqueue_dma source(%arg10 : memref<25600xf32, #tpu.memory_space<vmem>>) target(%dma_start3A_184 : memref<25600xf32, #tpu.memory_space<hbm>>) target_semaphore(%arg14 : memref<!tpu.dma_semaphore, #tpu.memory_space<semaphore_mem>>)
    %dma_wait3A_185 = tpu.memref_slice %arg2[%add3A_168] : memref<3276800xi32, #tpu.memory_space<hbm>> -> memref<25600xi32, #tpu.memory_space<hbm>>
    %dma_wait3A_186 = tpu.memref_slice %arg2[%add3A_168] : memref<3276800xi32, #tpu.memory_space<hbm>> -> memref<25600xi32, #tpu.memory_space<hbm>>
    tpu.wait_dma2 semaphore(%arg13 : memref<!tpu.dma_semaphore, #tpu.memory_space<semaphore_mem>>) src(%dma_wait3A_186 : memref<25600xi32, #tpu.memory_space<hbm>>) dst(%arg9 : memref<25600xi32, #tpu.memory_space<vmem>>)
    %dma_wait3A_187 = tpu.memref_slice %arg5[%add3A_164] : memref<3276800xf32, #tpu.memory_space<hbm>> -> memref<25600xf32, #tpu.memory_space<hbm>>
    %dma_wait3A_188 = tpu.memref_slice %arg5[%add3A_164] : memref<3276800xf32, #tpu.memory_space<hbm>> -> memref<25600xf32, #tpu.memory_space<hbm>>
    tpu.wait_dma2 semaphore(%arg15 : memref<!tpu.dma_semaphore, #tpu.memory_space<semaphore_mem>>) src(%arg11 : memref<25600xf32, #tpu.memory_space<vmem>>) dst(%dma_wait3A_188 : memref<25600xf32, #tpu.memory_space<hbm>>)
    %scan3A_189 = arith.constant 0 : i32
    %scan3A_190 = arith.constant 0 : i32
    %scan3A_191 = arith.constant 1600 : i32
    %scan3A_192 = arith.addi %scan3A_190, %scan3A_191 : i32
    %scan3A_193 = arith.constant 8 : i32
    scf.for %scan3A_203 = %scan3A_190 to %scan3A_192 step %scan3A_193  : i32 {
      %mul3A_204 = arith.constant 16 : i32
      %mul3A_205 = arith.muli %scan3A_203, %mul3A_204 : i32
      %get3A_206 = arith.index_cast %mul3A_205 : i32 to index
      %get3A_207 = tpu.vector_load %arg9[%get3A_206] {strides = array<i32>} : memref<25600xi32, #tpu.memory_space<vmem>>, vector<16xi32>,
      %get3A_208 = vector.shape_cast %get3A_207 : vector<16xi32> to vector<16xi32>
      %broadcast_in_dim3A_209 = vector.shape_cast %get3A_208 : vector<16xi32> to vector<16x1xi32>
      %gather3A = vector.shape_cast %broadcast_in_dim3A_209 : vector<16x1xi32> to vector<16xi32>
      %gather3A_210 = tpu.dynamic_gather %div3A_135[%gather3A] in [0] : vector<16xf32>, vector<16xi32> -> vector<16xf32>
      %mul3A_211 = arith.constant 16 : i32
      %mul3A_212 = arith.muli %scan3A_203, %mul3A_211 : i32
      %swap3A = arith.index_cast %mul3A_212 : i32 to index
      %swap3A_213 = tpu.vector_load %arg11[%swap3A] {strides = array<i32>} : memref<25600xf32, #tpu.memory_space<vmem>>, vector<16xf32>,
      %swap3A_214 = vector.shape_cast %swap3A_213 : vector<16xf32> to vector<16xf32>
      %swap3A_215 = vector.shape_cast %gather3A_210 : vector<16xf32> to vector<16xf32>
      tpu.vector_store %arg11[%swap3A], %swap3A_215 {strides = array<i32>} : memref<25600xf32, #tpu.memory_space<vmem>>, vector<16xf32>,
      %scan3A_216 = arith.constant 1 : i32
      %scan3A_217 = arith.addi %scan3A_203, %scan3A_216 : i32
      %mul3A_218 = arith.constant 16 : i32
      %mul3A_219 = arith.muli %scan3A_217, %mul3A_218 : i32
      %get3A_220 = arith.index_cast %mul3A_219 : i32 to index
      %get3A_221 = tpu.vector_load %arg9[%get3A_220] {strides = array<i32>} : memref<25600xi32, #tpu.memory_space<vmem>>, vector<16xi32>,
      %get3A_222 = vector.shape_cast %get3A_221 : vector<16xi32> to vector<16xi32>
      %broadcast_in_dim3A_223 = vector.shape_cast %get3A_222 : vector<16xi32> to vector<16x1xi32>
      %gather3A_224 = vector.shape_cast %broadcast_in_dim3A_223 : vector<16x1xi32> to vector<16xi32>
      %gather3A_225 = tpu.dynamic_gather %div3A_135[%gather3A_224] in [0] : vector<16xf32>, vector<16xi32> -> vector<16xf32>
      %mul3A_226 = arith.constant 16 : i32
      %mul3A_227 = arith.muli %scan3A_217, %mul3A_226 : i32
      %swap3A_228 = arith.index_cast %mul3A_227 : i32 to index
      %swap3A_229 = tpu.vector_load %arg11[%swap3A_228] {strides = array<i32>} : memref<25600xf32, #tpu.memory_space<vmem>>, vector<16xf32>,
      %swap3A_230 = vector.shape_cast %swap3A_229 : vector<16xf32> to vector<16xf32>
      %swap3A_231 = vector.shape_cast %gather3A_225 : vector<16xf32> to vector<16xf32>
      tpu.vector_store %arg11[%swap3A_228], %swap3A_231 {strides = array<i32>} : memref<25600xf32, #tpu.memory_space<vmem>>, vector<16xf32>,
      %scan3A_232 = arith.constant 2 : i32
      %scan3A_233 = arith.addi %scan3A_203, %scan3A_232 : i32
      %mul3A_234 = arith.constant 16 : i32
      %mul3A_235 = arith.muli %scan3A_233, %mul3A_234 : i32
      %get3A_236 = arith.index_cast %mul3A_235 : i32 to index
      %get3A_237 = tpu.vector_load %arg9[%get3A_236] {strides = array<i32>} : memref<25600xi32, #tpu.memory_space<vmem>>, vector<16xi32>,
      %get3A_238 = vector.shape_cast %get3A_237 : vector<16xi32> to vector<16xi32>
      %broadcast_in_dim3A_239 = vector.shape_cast %get3A_238 : vector<16xi32> to vector<16x1xi32>
      %gather3A_240 = vector.shape_cast %broadcast_in_dim3A_239 : vector<16x1xi32> to vector<16xi32>
      %gather3A_241 = tpu.dynamic_gather %div3A_135[%gather3A_240] in [0] : vector<16xf32>, vector<16xi32> -> vector<16xf32>
      %mul3A_242 = arith.constant 16 : i32
      %mul3A_243 = arith.muli %scan3A_233, %mul3A_242 : i32
      %swap3A_244 = arith.index_cast %mul3A_243 : i32 to index
      %swap3A_245 = tpu.vector_load %arg11[%swap3A_244] {strides = array<i32>} : memref<25600xf32, #tpu.memory_space<vmem>>, vector<16xf32>,
      %swap3A_246 = vector.shape_cast %swap3A_245 : vector<16xf32> to vector<16xf32>
      %swap3A_247 = vector.shape_cast %gather3A_241 : vector<16xf32> to vector<16xf32>
      tpu.vector_store %arg11[%swap3A_244], %swap3A_247 {strides = array<i32>} : memref<25600xf32, #tpu.memory_space<vmem>>, vector<16xf32>,
      %scan3A_248 = arith.constant 3 : i32
      %scan3A_249 = arith.addi %scan3A_203, %scan3A_248 : i32
      %mul3A_250 = arith.constant 16 : i32
      %mul3A_251 = arith.muli %scan3A_249, %mul3A_250 : i32
      %get3A_252 = arith.index_cast %mul3A_251 : i32 to index
      %get3A_253 = tpu.vector_load %arg9[%get3A_252] {strides = array<i32>} : memref<25600xi32, #tpu.memory_space<vmem>>, vector<16xi32>,
      %get3A_254 = vector.shape_cast %get3A_253 : vector<16xi32> to vector<16xi32>
      %broadcast_in_dim3A_255 = vector.shape_cast %get3A_254 : vector<16xi32> to vector<16x1xi32>
      %gather3A_256 = vector.shape_cast %broadcast_in_dim3A_255 : vector<16x1xi32> to vector<16xi32>
      %gather3A_257 = tpu.dynamic_gather %div3A_135[%gather3A_256] in [0] : vector<16xf32>, vector<16xi32> -> vector<16xf32>
      %mul3A_258 = arith.constant 16 : i32
      %mul3A_259 = arith.muli %scan3A_249, %mul3A_258 : i32
      %swap3A_260 = arith.index_cast %mul3A_259 : i32 to index
      %swap3A_261 = tpu.vector_load %arg11[%swap3A_260] {strides = array<i32>} : memref<25600xf32, #tpu.memory_space<vmem>>, vector<16xf32>,
      %swap3A_262 = vector.shape_cast %swap3A_261 : vector<16xf32> to vector<16xf32>
      %swap3A_263 = vector.shape_cast %gather3A_257 : vector<16xf32> to vector<16xf32>
      tpu.vector_store %arg11[%swap3A_260], %swap3A_263 {strides = array<i32>} : memref<25600xf32, #tpu.memory_space<vmem>>, vector<16xf32>,
      %scan3A_264 = arith.constant 4 : i32
      %scan3A_265 = arith.addi %scan3A_203, %scan3A_264 : i32
      %mul3A_266 = arith.constant 16 : i32
      %mul3A_267 = arith.muli %scan3A_265, %mul3A_266 : i32
      %get3A_268 = arith.index_cast %mul3A_267 : i32 to index
      %get3A_269 = tpu.vector_load %arg9[%get3A_268] {strides = array<i32>} : memref<25600xi32, #tpu.memory_space<vmem>>, vector<16xi32>,
      %get3A_270 = vector.shape_cast %get3A_269 : vector<16xi32> to vector<16xi32>
      %broadcast_in_dim3A_271 = vector.shape_cast %get3A_270 : vector<16xi32> to vector<16x1xi32>
      %gather3A_272 = vector.shape_cast %broadcast_in_dim3A_271 : vector<16x1xi32> to vector<16xi32>
      %gather3A_273 = tpu.dynamic_gather %div3A_135[%gather3A_272] in [0] : vector<16xf32>, vector<16xi32> -> vector<16xf32>
      %mul3A_274 = arith.constant 16 : i32
      %mul3A_275 = arith.muli %scan3A_265, %mul3A_274 : i32
      %swap3A_276 = arith.index_cast %mul3A_275 : i32 to index
      %swap3A_277 = tpu.vector_load %arg11[%swap3A_276] {strides = array<i32>} : memref<25600xf32, #tpu.memory_space<vmem>>, vector<16xf32>,
      %swap3A_278 = vector.shape_cast %swap3A_277 : vector<16xf32> to vector<16xf32>
      %swap3A_279 = vector.shape_cast %gather3A_273 : vector<16xf32> to vector<16xf32>
      tpu.vector_store %arg11[%swap3A_276], %swap3A_279 {strides = array<i32>} : memref<25600xf32, #tpu.memory_space<vmem>>, vector<16xf32>,
      %scan3A_280 = arith.constant 5 : i32
      %scan3A_281 = arith.addi %scan3A_203, %scan3A_280 : i32
      %mul3A_282 = arith.constant 16 : i32
      %mul3A_283 = arith.muli %scan3A_281, %mul3A_282 : i32
      %get3A_284 = arith.index_cast %mul3A_283 : i32 to index
      %get3A_285 = tpu.vector_load %arg9[%get3A_284] {strides = array<i32>} : memref<25600xi32, #tpu.memory_space<vmem>>, vector<16xi32>,
      %get3A_286 = vector.shape_cast %get3A_285 : vector<16xi32> to vector<16xi32>
      %broadcast_in_dim3A_287 = vector.shape_cast %get3A_286 : vector<16xi32> to vector<16x1xi32>
      %gather3A_288 = vector.shape_cast %broadcast_in_dim3A_287 : vector<16x1xi32> to vector<16xi32>
      %gather3A_289 = tpu.dynamic_gather %div3A_135[%gather3A_288] in [0] : vector<16xf32>, vector<16xi32> -> vector<16xf32>
      %mul3A_290 = arith.constant 16 : i32
      %mul3A_291 = arith.muli %scan3A_281, %mul3A_290 : i32
      %swap3A_292 = arith.index_cast %mul3A_291 : i32 to index
      %swap3A_293 = tpu.vector_load %arg11[%swap3A_292] {strides = array<i32>} : memref<25600xf32, #tpu.memory_space<vmem>>, vector<16xf32>,
      %swap3A_294 = vector.shape_cast %swap3A_293 : vector<16xf32> to vector<16xf32>
      %swap3A_295 = vector.shape_cast %gather3A_289 : vector<16xf32> to vector<16xf32>
      tpu.vector_store %arg11[%swap3A_292], %swap3A_295 {strides = array<i32>} : memref<25600xf32, #tpu.memory_space<vmem>>, vector<16xf32>,
      %scan3A_296 = arith.constant 6 : i32
      %scan3A_297 = arith.addi %scan3A_203, %scan3A_296 : i32
      %mul3A_298 = arith.constant 16 : i32
      %mul3A_299 = arith.muli %scan3A_297, %mul3A_298 : i32
      %get3A_300 = arith.index_cast %mul3A_299 : i32 to index
      %get3A_301 = tpu.vector_load %arg9[%get3A_300] {strides = array<i32>} : memref<25600xi32, #tpu.memory_space<vmem>>, vector<16xi32>,
      %get3A_302 = vector.shape_cast %get3A_301 : vector<16xi32> to vector<16xi32>
      %broadcast_in_dim3A_303 = vector.shape_cast %get3A_302 : vector<16xi32> to vector<16x1xi32>
      %gather3A_304 = vector.shape_cast %broadcast_in_dim3A_303 : vector<16x1xi32> to vector<16xi32>
      %gather3A_305 = tpu.dynamic_gather %div3A_135[%gather3A_304] in [0] : vector<16xf32>, vector<16xi32> -> vector<16xf32>
      %mul3A_306 = arith.constant 16 : i32
      %mul3A_307 = arith.muli %scan3A_297, %mul3A_306 : i32
      %swap3A_308 = arith.index_cast %mul3A_307 : i32 to index
      %swap3A_309 = tpu.vector_load %arg11[%swap3A_308] {strides = array<i32>} : memref<25600xf32, #tpu.memory_space<vmem>>, vector<16xf32>,
      %swap3A_310 = vector.shape_cast %swap3A_309 : vector<16xf32> to vector<16xf32>
      %swap3A_311 = vector.shape_cast %gather3A_305 : vector<16xf32> to vector<16xf32>
      tpu.vector_store %arg11[%swap3A_308], %swap3A_311 {strides = array<i32>} : memref<25600xf32, #tpu.memory_space<vmem>>, vector<16xf32>,
      %scan3A_312 = arith.constant 7 : i32
      %scan3A_313 = arith.addi %scan3A_203, %scan3A_312 : i32
      %mul3A_314 = arith.constant 16 : i32
      %mul3A_315 = arith.muli %scan3A_313, %mul3A_314 : i32
      %get3A_316 = arith.index_cast %mul3A_315 : i32 to index
      %get3A_317 = tpu.vector_load %arg9[%get3A_316] {strides = array<i32>} : memref<25600xi32, #tpu.memory_space<vmem>>, vector<16xi32>,
      %get3A_318 = vector.shape_cast %get3A_317 : vector<16xi32> to vector<16xi32>
      %broadcast_in_dim3A_319 = vector.shape_cast %get3A_318 : vector<16xi32> to vector<16x1xi32>
      %gather3A_320 = vector.shape_cast %broadcast_in_dim3A_319 : vector<16x1xi32> to vector<16xi32>
      %gather3A_321 = tpu.dynamic_gather %div3A_135[%gather3A_320] in [0] : vector<16xf32>, vector<16xi32> -> vector<16xf32>
      %mul3A_322 = arith.constant 16 : i32
      %mul3A_323 = arith.muli %scan3A_313, %mul3A_322 : i32
      %swap3A_324 = arith.index_cast %mul3A_323 : i32 to index
      %swap3A_325 = tpu.vector_load %arg11[%swap3A_324] {strides = array<i32>} : memref<25600xf32, #tpu.memory_space<vmem>>, vector<16xf32>,
      %swap3A_326 = vector.shape_cast %swap3A_325 : vector<16xf32> to vector<16xf32>
      %swap3A_327 = vector.shape_cast %gather3A_321 : vector<16xf32> to vector<16xf32>
      tpu.vector_store %arg11[%swap3A_324], %swap3A_327 {strides = array<i32>} : memref<25600xf32, #tpu.memory_space<vmem>>, vector<16xf32>,
    }
    %scan3A_194 = arith.constant 1600 : i32
    %add3A_195 = arith.constant 76800 : i32
    %add3A_196 = arith.addi %mul3A_2, %add3A_195 : i32
    %dma_start3A_197 = tpu.memref_slice %arg5[%add3A_196] : memref<3276800xf32, #tpu.memory_space<hbm>> -> memref<25600xf32, #tpu.memory_space<hbm>>
    %dma_start3A_198 = tpu.memref_slice %arg5[%add3A_196] : memref<3276800xf32, #tpu.memory_space<hbm>> -> memref<25600xf32, #tpu.memory_space<hbm>>
    tpu.enqueue_dma source(%arg11 : memref<25600xf32, #tpu.memory_space<vmem>>) target(%dma_start3A_198 : memref<25600xf32, #tpu.memory_space<hbm>>) target_semaphore(%arg15 : memref<!tpu.dma_semaphore, #tpu.memory_space<semaphore_mem>>)
    %dma_wait3A_199 = tpu.memref_slice %arg5[%add3A_182] : memref<3276800xf32, #tpu.memory_space<hbm>> -> memref<25600xf32, #tpu.memory_space<hbm>>
    %dma_wait3A_200 = tpu.memref_slice %arg5[%add3A_182] : memref<3276800xf32, #tpu.memory_space<hbm>> -> memref<25600xf32, #tpu.memory_space<hbm>>
    tpu.wait_dma2 semaphore(%arg14 : memref<!tpu.dma_semaphore, #tpu.memory_space<semaphore_mem>>) src(%arg10 : memref<25600xf32, #tpu.memory_space<vmem>>) dst(%dma_wait3A_200 : memref<25600xf32, #tpu.memory_space<hbm>>)
    %dma_wait3A_201 = tpu.memref_slice %arg5[%add3A_196] : memref<3276800xf32, #tpu.memory_space<hbm>> -> memref<25600xf32, #tpu.memory_space<hbm>>
    %dma_wait3A_202 = tpu.memref_slice %arg5[%add3A_196] : memref<3276800xf32, #tpu.memory_space<hbm>> -> memref<25600xf32, #tpu.memory_space<hbm>>
    tpu.wait_dma2 semaphore(%arg15 : memref<!tpu.dma_semaphore, #tpu.memory_space<semaphore_mem>>) src(%arg11 : memref<25600xf32, #tpu.memory_space<vmem>>) dst(%dma_wait3A_202 : memref<25600xf32, #tpu.memory_space<hbm>>)
    return
  }
}

</mosaic_0001>

<sc_bundles>
// kernel: kernel.3.cloned.1.call-start
scs
__scs_entry_jumppad:
0x0: {  	(pc) =	sbr.rel $0x88, $3  }
0x1: {  	(tag) =	ssettag $0x0;
	lr =	simm.s32 $0x1  }
0x2: {  	[smem:$0x3F9D] =	sst lr;
	_ =	strace $0xD0000000  }
0x3: {  	_ = 	snop  }
0x4: {  	_ = 	snop  }
0x5: {  	_ = 	snop  }
0x6: {  	_ = 	snop  }
0x7: {  	_ = 	snop  }
__scs_overlays_trampoline_lowered:
0x8: {  	[smem:$0x3FAC] =	sst s0  }
0x9: {  	[smem:$0x3FAD] =	sst s1  }
0xa: {  	[smem:$0x3FAE] =	sst s2  }
0xb: {  	[smem:$0x3FAF] =	sst s3  }
0xc: {  	[smem:$0x3FB0] =	sst s4  }
0xd: {  	[smem:$0x3FB1] =	sst s5  }
0xe: {  	[smem:$0x3FB2] =	sst s6  }
0xf: {  	[smem:$0x3FB3] =	sst s7  }
0x10: {  	[smem:$0x3FB4] =	sst s8  }
0x11: {  	[smem:$0x3FB5] =	sst s9;
	s0 =	simm.s32 @!p0 $0x0  }
0x12: {  	s1 =	sld [smem:$0x3F9B];
	s0 =	simm.s32 @p0 $0x1  }
0x13: {  	[smem:$0x3FB6] =	sst s0;
	s0 =	simm.s32 @!p1 $0x0  }
0x14: {  	s2 =	sld [smem:$0x3F9A];
	s0 =	simm.s32 @p1 $0x1  }
0x15: {  	[smem:$0x3FB7] =	sst s0;
	s0 =	simm.s32 @!p2 $0x0  }
0x16: {  	s3 =	sld [smem:$0x3FDB];
	s0 =	simm.s32 @p2 $0x1  }
0x17: {  	s4 =	simm.s32 $0x1BF5;
	[smem:$0x3FB9] =	sst s0  }
0x18: {  	s0 =	sld [smem:$0x3F9C];
	_ =	swait.ge [sflag:s4], $0x0  }
0x19: {  	s7 =	sld [smem:$0x3F9D]  }
0x1a: {  	s8 =	sadd.s32 $0xFFFFE003, lr  }
0x1b: {  	s9 =	sadd.s32 $0xFFFFFEF7, lr;
	s5 =	simm.s32 $0xFFFFFFFF;
	p2 =	slt.u32 s8, $0xFFFFF086  }
0x1c: {  	p1 =	slt.u32 s9, $0xF7A;
	s5 =	simm.s32 @!p2 $0x0  }
0x1d: {  	s5 =	simm.s32 @p1 $0x1;
	p0 =	seq.s32 s7, s2  }
0x1e: {  	s7 =	smul.u32 @!p0 $0xF7A, s2;
	p2 =	seq.s32 @!p0 s5, $0x0  }
0x1f: {  	s9 =	smul.u32 $0xF7A, s1;
	s8 =	simm.s32 @!p0 $0x1BF5;
	p2 =	por !p2, p0  }
0x20: {  	[sflag:s8] =	ssyncset.s32 @!p0 $0xFFFFF086;
	s6 =	sadd.s32 @!p0 s3, s7;
	s7 =	simm.s32 @!p0 $0x108  }
0x21: {  	s3 =	sadd.s32 s3, s9;
	s6 =	sadd.s32 @!p0 $0x88, s6;
	s7 =	simm.s32 @p2 $0x1082  }
0x22: {  	[simem:s7], [sflag:s8] =	dma.local @!p0 [hbm:s6], $0xF7A  }
0x23: {  	s9 =	sor.u32 $0xD0000000, s2;
	s6 =	simm.s32 $0x108;
	_ =	swait.ge @!p0 [sflag:s8], $0x0  }
0x24: {  	s3 =	sadd.s32 $0x88, s3;
	s6 =	simm.s32 @!p1 $0x1082;
	[sflag:s4] =	ssyncset.s32 $0xFFFFF086  }
0x25: {  	[simem:s6], [sflag:s4] =	dma.local [hbm:s3], $0xF7A  }
0x26: {  	[smem:$0x3F9D] =	sst s1;
	(tag) =	ssettag s2;
	_ =	strace s9  }
0x27: {  	s1 =	sld [smem:$0x3FAD]  }
0x28: {  	s2 =	sld [smem:$0x3FAE]  }
0x29: {  	s4 =	sld [smem:$0x3FB0]  }
0x2a: {  	p0 =	seq.s32 s5, $0x0;
	s5 =	sld [smem:$0x3FB1]  }
0x2b: {  	s6 =	sld [smem:$0x3FB2]  }
0x2c: {  	s7 =	sld [smem:$0x3FB3]  }
0x2d: {  	s3 =	simm.s32 $0x108;
	s8 =	sld [smem:$0x3FB4]  }
0x2e: {  	s3 =	simm.s32 @!p0 $0x1082;
	s9 =	sld [smem:$0x3FB5]  }
0x2f: {  	lr =	sadd.s32 s0, s3;
	s0 =	sld [smem:$0x3FAC]  }
0x30: {  	s3 =	sld [smem:$0x3FAF]  }
0x31: {  	[smem:$0x3FB8] =	sst s10  }
0x32: {  	s10 =	sld [smem:$0x3FB6];
	_ =	sdelay $0x3  }
0x33: {  	p0 =	seq.s32 s10, $0x1;
	s10 =	sld [smem:$0x3FB8];
	_ =	sdelay $0x3  }
0x34: {  	[smem:$0x3FB8] =	sst s10  }
0x35: {  	s10 =	sld [smem:$0x3FB7];
	_ =	sdelay $0x3  }
0x36: {  	p1 =	seq.s32 s10, $0x1;
	s10 =	sld [smem:$0x3FB8];
	_ =	sdelay $0x3  }
0x37: {  	[smem:$0x3FB8] =	sst s10  }
0x38: {  	s10 =	sld [smem:$0x3FB9]  }
0x39: {  	_ = 	snop;
	(pc) =	sbr.ind lr, $3  }
0x3a: {  	_ = 	snop  }
0x3b: {  	_ = 	snop  }
0x3c: {  	p2 =	seq.s32 s10, $0x1;
	s10 =	sld [smem:$0x3FB8]  }
0x3d: {  	_ =	shalt  }
0x3e: {  	_ =	shalt  }
0x3f: {  	_ =	shalt  }
0x40: {  	_ =	shalt  }
0x41: {  	_ =	shalt  }
0x42: {  	_ =	shalt  }
0x43: {  	_ =	shalt  }
0x44: {  	_ =	shalt  }
0x45: {  	_ =	shalt  }
0x46: {  	_ =	shalt  }
0x47: {  	_ =	shalt  }
0x48: {  	_ =	shalt  }
0x49: {  	_ =	shalt  }
0x4a: {  	_ =	shalt  }
0x4b: {  	_ =	shalt  }
0x4c: {  	_ =	shalt  }
0x4d: {  	_ =	shalt  }
0x4e: {  	_ =	shalt  }
0x4f: {  	_ =	shalt  }
0x50: {  	_ =	shalt  }
0x51: {  	_ =	shalt  }
0x52: {  	_ =	shalt  }
0x53: {  	_ =	shalt  }
0x54: {  	_ =	shalt  }
0x55: {  	_ =	shalt  }
0x56: {  	_ =	shalt  }
0x57: {  	_ =	shalt  }
0x58: {  	_ =	shalt  }
0x59: {  	_ =	shalt  }
0x5a: {  	_ =	shalt  }
0x5b: {  	_ =	shalt  }
0x5c: {  	_ =	shalt  }
0x5d: {  	_ =	shalt  }
0x5e: {  	_ =	shalt  }
0x5f: {  	_ =	shalt  }
0x60: {  	_ =	shalt  }
0x61: {  	_ =	shalt  }
0x62: {  	_ =	shalt  }
0x63: {  	_ =	shalt  }
0x64: {  	_ =	shalt  }
0x65: {  	_ =	shalt  }
0x66: {  	_ =	shalt  }
0x67: {  	_ =	shalt  }
0x68: {  	_ =	shalt  }
0x69: {  	_ =	shalt  }
0x6a: {  	_ =	shalt  }
0x6b: {  	_ =	shalt  }
0x6c: {  	_ =	shalt  }
0x6d: {  	_ =	shalt  }
0x6e: {  	_ =	shalt  }
0x6f: {  	_ =	shalt  }
0x70: {  	_ =	shalt  }
0x71: {  	_ =	shalt  }
0x72: {  	_ =	shalt  }
0x73: {  	_ =	shalt  }
0x74: {  	_ =	shalt  }
0x75: {  	_ =	shalt  }
0x76: {  	_ =	shalt  }
0x77: {  	_ =	shalt  }
0x78: {  	_ =	shalt  }
0x79: {  	_ =	shalt  }
0x7a: {  	_ =	shalt  }
0x7b: {  	_ =	shalt  }
0x7c: {  	_ =	shalt  }
0x7d: {  	_ =	shalt  }
0x7e: {  	_ =	shalt  }
0x7f: {  	_ =	shalt  }
0x80: {  	_ =	shalt  }
0x81: {  	_ =	shalt  }
0x82: {  	_ =	shalt  }
0x83: {  	_ =	shalt  }
0x84: {  	_ =	shalt  }
0x85: {  	_ =	shalt  }
0x86: {  	_ =	shalt  }
0x87: {  	_ =	shalt  }
.Lfunc_end0:
.L_simem_size_0:
called_computation_lowered:
.L_overlay_start_0:
0x88: {  	s2 =	sld [smem:$0x3FD9]  }
0x89: {  	s3 =	sld [smem:$0x3FFE];
	_ =	sdelay $0x1  }
0x8a: {  	s1 =	srdreg.scid  }
0x8b: {  	s0 =	sand.u32 $0x1, s1  }
0x8c: {  	s17 =	sshll.u32 s0, $0xA;
	s2 =	sadd.s32 s3, s2  }
0x8d: {  	s2 =	sadd.s32 s2, s17  }
0x8e: {  	[smem:$0x3FC4] =	sst s2  }
0x8f: {  	_ = 	snop  }
0x90: {  	s2 =	sld [smem:$0x3FD0];
	(tm) =	ssettm $0x1  }
0x91: {  	s18 =	sld [smem:$0x3FFB];
	_ =	sdelay $0x3  }
0x92: {  	_ =	strace s18  }
0x93: {  	s3 =	sld [smem:$0x3FFC];
	_ =	sdelay $0x3  }
0x94: {  	_ =	strace s3  }
0x95: {  	s3 =	sld [smem:$0x3FFD];
	_ =	sdelay $0x3  }
0x96: {  	_ =	strace s3  }
0x97: {  	_ =	strace $0x8FFFFFFF  }
0x98: {  	s19 =	sld [smem:$0x3FDB];
	_ =	sdelay $0x1  }
0x99: {  	s4 =	simm.s32 $_scs_section_size  }
0x9a: {  	s5 =	simm.s32 $_size__tile_overlayer_lowered;
	s6 =	simm.s32 $_tile_overlayer_lowered  }
0x9b: {  	s22 =	simm.s32 $0x1BFF;
	s21 =	sshll.u32 s6, $0x1;
	s3 =	sadd.s32 s4, s19  }
0x9c: {  	s7 =	simm.s32 $0x0;
	s20 =	sshll.u32 s5, $0x1;
	s5 =	sadd.s32 s21, s3  }
0x9d: {  	[timem:s7], [sflag:s22] =	dma.local [hbm:s5], s20  }
0x9e: {  	_ =	swait.ge [sflag:s22], s20  }
0x9f: {  	s4 =	ssub.s32 $0x0, s20;
	[sflag:s22] =	ssyncset.done $0x0  }
0xa0: {  	[sflag:s22] =	ssyncadd.s32 s4;
	_ =	sdelay $0x1  }
0xa1: {  	s23 =	simm.s32 $0x1B8B  }
0xa2: {  	_ =	swait.ge [sflag:s23], $0x1  }
0xa3: {  	[sflag:s23] =	ssyncset.done $0x0  }
0xa4: {  	s25 =	simm.s32 $0x1B8E;
	s24 =	sld [smem:$0x3FFE];
	[sflag:s23] =	ssyncadd.s32 $0xFFFFFFFF  }
0xa5: {  	s26 =	simm.s32 $execute0_lowered;
	[smem:$0x3FD2] =	sst s25  }
0xa6: {  	s5 =	sshll.u32 s26, $0x1;
	_ =	strace $0x80000046;
	[dreg:$0x1] =	wrdreg $0xFFFFFFFF  }
0xa7: {  	s28 =	simm.s32 $_size_execute0_lowered;
	s3 =	sadd.s32 s3, s5;
	[dreg:$0x0] =	wrdreg $0x0  }
0xa8: {  	s5 =	sshll.u32 s28, $0x1;
	[dreg:$0x2] =	wrdreg s3  }
0xa9: {  	[dreg:$0x3] =	wrdreg s5  }
0xaa: {  	[dreg:$0x4] =	wrdreg $0xC0  }
0xab: {  	_ =	task [dreg:s7], $0x5FFFF  }
0xac: {  	[dreg:$0x1] =	wrdreg $0xFFFFFFFF  }
0xad: {  	[dreg:$0x0] =	wrdreg $0x60  }
0xae: {  	[dreg:$0x2] =	wrdreg s2  }
0xaf: {  	[dreg:$0x3] =	wrdreg s24  }
0xb0: {  	[dreg:$0x4] =	wrdreg $0x9  }
0xb1: {  	_ =	task.clear_ibuf [dreg:s7], $0x5FFFF;
	_ =	strace $0x90000046  }
0xb2: {  	s29 =	simm.s32 $0x9;
	_ =	strace $0x80000048  }
0xb3: {  	_ =	swait.ge [sflag:s29], $0x1  }
0xb4: {  	[sflag:s29] =	ssyncadd.s32 $0xFFFFFFFF  }
0xb5: {  	_ =	strace $0x90000048  }
0xb6: {  	_ =	sfence  }
0xb7: {  	s30 =	sld [smem:$0x0];
	_ =	sdelay $0x2  }
0xb8: {  	s31 =	sshll.u32 s1, $0xD;
	s1 =	sshrl.u32 s1, $0x2  }
0xb9: {  	s3 =	sand.u32 $0x4000, s31;
	s1 =	sadd.s32 s1, s30  }
0xba: {  	s0 =	sor.u32 s3, s0;
	s1 =	sshll.u32 s1, $0x11  }
0xbb: {  	s0 =	sor.u32 s1, s0  }
0xbc: {  	s0 =	sadd.s32 $0x8F2B, s0  }
0xbd: {  	[sflag:s0] =	ssyncadd.remote.s32 $0x1  }
0xbe: {  	_ =	sfence.sel $0xFFFF  }
0xbf: {  	[dreg:$0x0] =	wrdreg $0xFFFFFFFF;
	(pc) =	sbr.abs _section_cstart, $3  }
0xc0: {  	[dreg:$0x1] =	wrdreg $0xFFFFFFFF  }
0xc1: {  	_ =	task.clear_ibuf [dreg:s7], $0x2FFFF;
	_ =	strace $0x9FFFFFFF  }
0xc2: {  	(tm) =	ssettm $0x7FFFFFFF  }
0xc3: {  	_ =	shalt  }
tec
execute0_lowered:
.L_overlay_start_1:
0x0: {  	(tag) =	ssettag $0x1  }
0x1: {  	s10 =	rddreg [dreg:$0x0]  }
0x2: {  	s5 =	rddreg [dreg:$0x1]  }
0x3: {  	s0 =	rddreg [dreg:$0x2]  }
0x4: {  	s3 =	srdreg.scid;
	s1 =	stileid.u32;
	s2 =	simm.s32 $0x0  }
0x5: {  	s16 =	simm.s32 $0x1000;
	s17 =	simm.s32 $0x7400;
	s18 =	simm.s32 $0x1  }
0x6: {  	s19 =	simm.s32 $0xD800;
	s20 =	simm.s32 $0x2;
	s21 =	simm.s32 $0x13C00  }
0x7: {  	s22 =	simm.s32 $0x3;
	s6 =	sand.u32 $0x1, s3;
	s30 =	sshll.u32 s1, $0x1  }
0x8: {  	s23 =	simm.s32 $0x4;
	s24 =	simm.s32 $0x0;
	s3 =	sor.u32 s6, s30  }
0x9: {  	[smem:$0x7FF] =	sst s2;
	s6 =	ssub.s32 $0x2, s6;
	s7 =	smul.u32 $0x19000, s3  }
0xa: {  	s4 =	sadd.s32 $0xE00, s5;
	s12 =	sadd.s32 $0x1000, s5;
	s31 =	sshrl.u32 s6, $0x1  }
0xb: {  	_ =	strace $0x80000047;
	s13 =	ssub.s32 s6, s31;
	s11 =	sshrl.u32 s7, $0x3  }
0xc: {  	s3 =	sadd.s32 $0xC00, s5;
	s13 =	smax.u32 s13, $0x1;
	s5 =	sadd.s32 s10, s11  }
0xd: {  	s9 =	sadd.s32 $0xC80, s11;
	s7 =	sadd.s32 s12, s11;
	s14 =	sadd.s32 $0x1900, s11  }
0xe: {  	s15 =	sadd.s32 $0x2580, s11;
	s6 =	sadd.s32 s10, s9;
	s8 =	sadd.s32 s10, s14  }
0xf: {  	s9 =	sadd.s32 s12, s9;
	s10 =	sadd.s32 s10, s15;
	s11 =	sadd.s32 s12, s14  }
0x10: {  	s12 =	sadd.s32 s12, s15;
	s14 =	simm.s32 $0x5;
	s15 =	simm.s32 $0x800  }
.LBB2_1:
0x11: {  	[tilespmem:s2], [sflag:$0x5] =	stream.linear.gather [hbm4b:s3+s2], $0x800, $0x38;
	[tilespmem:$0x1A000] =	vst v63  }
0x12: {  	_ =	swait.ge [sflag:s14], $0x800  }
0x13: {  	[sflag:s14] =	ssyncset.done $0x0  }
0x14: {  	[sflag:s14] =	ssyncadd.s32 $0xFFFFF800  }
0x15: {  	[tilespmem:s15], [sflag:$0x5] =	stream.linear.gather [hbm4b:s4+s2], $0x800, $0x38;
	[tilespmem:$0x1A000] =	vst v63  }
0x16: {  	_ =	swait.ge [sflag:s14], $0x800  }
0x17: {  	[sflag:s14] =	ssyncset.done $0x0  }
0x18: {  	[sflag:s14] =	ssyncadd.s32 $0xFFFFF800  }
0x19: {  	v0 =	vld [tilespmem:$0x0]  }
0x1a: {  	v1 =	vld [tilespmem:$0x800]  }
0x1b: {  	v2 =	vld [tilespmem:$0x80]  }
0x1c: {  	v3 =	vld [tilespmem:$0x880]  }
0x1d: {  	v4 =	vld [tilespmem:$0x100]  }
0x1e: {  	v5 =	vld [tilespmem:$0x900]  }
0x1f: {  	v6 =	vld [tilespmem:$0x980];
	v0 =	vmul.f32 v1, v0  }
0x20: {  	v1 =	vld [tilespmem:$0x180]  }
0x21: {  	v7 =	vld [tilespmem:$0xA00];
	v2 =	vmul.f32 v3, v2;
	v0 =	vadd.f32 $0.0e+00, v0  }
0x22: {  	v3 =	vld [tilespmem:$0x200]  }
0x23: {  	v57 =	vld [tilespmem:$0x280];
	v0 =	vadd.f32 v2, v0;
	v2 =	vmul.f32 v5, v4  }
0x24: {  	v58 =	vld [tilespmem:$0xA80]  }
0x25: {  	v59 =	vld [tilespmem:$0xB00];
	v1 =	vmul.f32 v6, v1;
	v0 =	vadd.f32 v2, v0  }
0x26: {  	v2 =	vld [tilespmem:$0x300]  }
0x27: {  	v60 =	vld [tilespmem:$0xB80];
	v0 =	vadd.f32 v1, v0;
	v1 =	vmul.f32 v7, v3  }
0x28: {  	v3 =	vld [tilespmem:$0x380]  }
0x29: {  	v61 =	vld [tilespmem:$0x400];
	v0 =	vadd.f32 v1, v0;
	v1 =	vmul.f32 v58, v57  }
0x2a: {  	v62 =	vld [tilespmem:$0xC00]  }
0x2b: {  	v63 =	vld [tilespmem:$0xC80];
	v0 =	vadd.f32 v1, v0;
	v1 =	vmul.f32 v59, v2  }
0x2c: {  	v2 =	vld [tilespmem:$0x480]  }
0x2d: {  	v0 =	vadd.f32 v1, v0;
	v1 =	vmul.f32 v60, v3;
	_ =	sdelay $0x1  }
0x2e: {  	v0 =	vadd.f32 v1, v0;
	v1 =	vmul.f32 v62, v61  }
0x2f: {  	v3 =	vld [tilespmem:$0xD00]  }
0x30: {  	v0 =	vadd.f32 v1, v0;
	v1 =	vmul.f32 v63, v2;
	_ =	sdelay $0x1  }
0x31: {  	v0 =	vadd.f32 v1, v0;
	_ =	sdelay $0x1  }
0x32: {  	v0 =	vadd.f32 v0, v3;
	_ =	sdelay $0x1  }
0x33: {  	v0 =	vsub.f32 $0.0e+00, v0;
	_ =	sdelay $0x1  }
0x34: {  	v0 =	vmul.f32 $1.442695020e+00, v0;
	_ =	sdelay $0x1  }
0x35: {  	(erf) = vpow2.f32 v0;
	_ =	sdelay $0x8  }
0x36: {  	v0 =	vpop (erf)  }
0x37: {  	v0 =	vadd.f32 $1.000000000e+00, v0;
	_ =	sdelay $0x1  }
0x38: {  	(erf) = vrcp.f32 v0;
	_ =	sdelay $0x6  }
0x39: {  	[tilespmem:s16], [sflag:$0x1] =	stream.linear.gather [hbm4b:s5+s2], $0x6400, $0x38;
	[tilespmem:$0x1A000] =	vst v63  }
0x3a: {  	_ = 	snop  }
0x3b: {  	[tilespmem:s17], [sflag:$0x2] =	stream.linear.gather [hbm4b:s6+s2], $0x6400, $0x38;
	v0 =	vpop (erf);
	[tilespmem:$0x1A000] =	vst v63  }
0x3c: {  	_ =	swait.ge [sflag:s18], $0x6400  }
0x3d: {  	[sflag:s18] =	ssyncset.done $0x0  }
0x3e: {  	s26 =	simm.s32 $0x1040;
	[sflag:s18] =	ssyncadd.s32 $0xFFFF9C00  }
0x3f: {  	v1 =	vld [tilespmem:s26+$0xFFFFFFC0];
	_ =	sdelay $0x4  }
0x40: {  	v1 =	vperm.xlane v0, v1  }
0x41: {  	s25 =	simm.s32 $0xD840  }
0x42: {  	[tilespmem:s25+$0xFFFFFFC0] =	vst v1  }
0x43: {  	v1 =	vld [tilespmem:s26+$0xFFFFFFD0];
	_ =	sdelay $0x4  }
0x44: {  	v1 =	vperm.xlane v0, v1;
	_ =	sdelay $0x1  }
0x45: {  	[tilespmem:s25+$0xFFFFFFD0] =	vst v1  }
0x46: {  	v1 =	vld [tilespmem:s26+$0xFFFFFFE0];
	_ =	sdelay $0x4  }
0x47: {  	v1 =	vperm.xlane v0, v1;
	_ =	sdelay $0x1  }
0x48: {  	[tilespmem:s25+$0xFFFFFFE0] =	vst v1  }
0x49: {  	v1 =	vld [tilespmem:s26+$0xFFFFFFF0];
	_ =	sdelay $0x4  }
0x4a: {  	v1 =	vperm.xlane v0, v1;
	_ =	sdelay $0x1  }
0x4b: {  	[tilespmem:s25+$0xFFFFFFF0] =	vst v1  }
0x4c: {  	v1 =	vld [tilespmem:s26+$0x0];
	_ =	sdelay $0x4  }
0x4d: {  	v1 =	vperm.xlane v0, v1;
	_ =	sdelay $0x1  }
0x4e: {  	[tilespmem:s25+$0x0] =	vst v1  }
0x4f: {  	v1 =	vld [tilespmem:s26+$0x10];
	_ =	sdelay $0x4  }
0x50: {  	v1 =	vperm.xlane v0, v1;
	_ =	sdelay $0x1  }
0x51: {  	[tilespmem:s25+$0x10] =	vst v1  }
0x52: {  	v1 =	vld [tilespmem:s26+$0x20];
	_ =	sdelay $0x4  }
0x53: {  	v1 =	vperm.xlane v0, v1;
	_ =	sdelay $0x1  }
0x54: {  	[tilespmem:s25+$0x20] =	vst v1  }
0x55: {  	v1 =	vld [tilespmem:s26+$0x30];
	_ =	sdelay $0x4  }
0x56: {  	v1 =	vperm.xlane v0, v1;
	_ =	sdelay $0x1  }
0x57: {  	s28 =	simm.s32 $0x10C0;
	s26 =	simm.s32 $0x0;
	[tilespmem:s25+$0x30] =	vst v1  }
.LBB2_2:
0x58: {  	v1 =	vld [tilespmem:s28+$0xFFFFFFC0];
	s26 =	sadd.s32 $0x8, s26  }
0x59: {  	p0 =	slt.u32 s26, $0x638;
	_ =	sdelay $0x3  }
0x5a: {  	v1 =	vperm.xlane v0, v1  }
0x5b: {  	s25 =	sadd.s32 $0x80, s25  }
0x5c: {  	[tilespmem:s25+$0xFFFFFFC0] =	vst v1  }
0x5d: {  	v1 =	vld [tilespmem:s28+$0xFFFFFFD0];
	_ =	sdelay $0x4  }
0x5e: {  	v1 =	vperm.xlane v0, v1;
	_ =	sdelay $0x1  }
0x5f: {  	[tilespmem:s25+$0xFFFFFFD0] =	vst v1  }
0x60: {  	v1 =	vld [tilespmem:s28+$0xFFFFFFE0];
	_ =	sdelay $0x4  }
0x61: {  	v1 =	vperm.xlane v0, v1;
	_ =	sdelay $0x1  }
0x62: {  	[tilespmem:s25+$0xFFFFFFE0] =	vst v1  }
0x63: {  	v1 =	vld [tilespmem:s28+$0xFFFFFFF0];
	_ =	sdelay $0x4  }
0x64: {  	v1 =	vperm.xlane v0, v1;
	_ =	sdelay $0x1  }
0x65: {  	[tilespmem:s25+$0xFFFFFFF0] =	vst v1  }
0x66: {  	v1 =	vld [tilespmem:s28+$0x0];
	_ =	sdelay $0x4  }
0x67: {  	v1 =	vperm.xlane v0, v1;
	_ =	sdelay $0x1  }
0x68: {  	[tilespmem:s25+$0x0] =	vst v1  }
0x69: {  	v1 =	vld [tilespmem:s28+$0x10];
	_ =	sdelay $0x4  }
0x6a: {  	v1 =	vperm.xlane v0, v1;
	_ =	sdelay $0x1  }
0x6b: {  	[tilespmem:s25+$0x10] =	vst v1  }
0x6c: {  	v1 =	vld [tilespmem:s28+$0x20];
	_ =	sdelay $0x4  }
0x6d: {  	v1 =	vperm.xlane v0, v1;
	_ =	sdelay $0x1  }
0x6e: {  	[tilespmem:s25+$0x20] =	vst v1  }
0x6f: {  	v1 =	vld [tilespmem:s28+$0x30];
	_ =	sdelay $0x2  }
.Ltmp0:
0x70: {  	(pc) =	sbr.rel @p0 .LBB2_2-.Ltmp0, $3  }
0x71: {  	_ = 	snop  }
0x72: {  	v1 =	vperm.xlane v0, v1;
	_ =	sdelay $0x1  }
0x73: {  	s28 =	sadd.s32 $0x80, s28;
	[tilespmem:s25+$0x30] =	vst v1  }
0x74: {  	[hbm4b:s7+s2] =	stream.linear.scatter [tilespmem:s19], [sflag:$0x3], $0x6400, $0x38;
	[tilespmem:$0x1A000] =	vst v63  }
0x75: {  	_ = 	snop  }
0x76: {  	[tilespmem:s16], [sflag:$0x1] =	stream.linear.gather [hbm4b:s8+s2], $0x6400, $0x38;
	[tilespmem:$0x1A000] =	vst v63  }
0x77: {  	_ =	swait.ge [sflag:s20], $0x6400  }
0x78: {  	[sflag:s20] =	ssyncset.done $0x0  }
0x79: {  	s26 =	simm.s32 $0x7440;
	[sflag:s20] =	ssyncadd.s32 $0xFFFF9C00  }
0x7a: {  	v1 =	vld [tilespmem:s26+$0xFFFFFFC0];
	_ =	sdelay $0x4  }
0x7b: {  	v1 =	vperm.xlane v0, v1  }
0x7c: {  	s25 =	simm.s32 $0x13C40  }
0x7d: {  	[tilespmem:s25+$0xFFFFFFC0] =	vst v1  }
0x7e: {  	v1 =	vld [tilespmem:s26+$0xFFFFFFD0];
	_ =	sdelay $0x4  }
0x7f: {  	v1 =	vperm.xlane v0, v1;
	_ =	sdelay $0x1  }
0x80: {  	[tilespmem:s25+$0xFFFFFFD0] =	vst v1  }
0x81: {  	v1 =	vld [tilespmem:s26+$0xFFFFFFE0];
	_ =	sdelay $0x4  }
0x82: {  	v1 =	vperm.xlane v0, v1;
	_ =	sdelay $0x1  }
0x83: {  	[tilespmem:s25+$0xFFFFFFE0] =	vst v1  }
0x84: {  	v1 =	vld [tilespmem:s26+$0xFFFFFFF0];
	_ =	sdelay $0x4  }
0x85: {  	v1 =	vperm.xlane v0, v1;
	_ =	sdelay $0x1  }
0x86: {  	[tilespmem:s25+$0xFFFFFFF0] =	vst v1  }
0x87: {  	v1 =	vld [tilespmem:s26+$0x0];
	_ =	sdelay $0x4  }
0x88: {  	v1 =	vperm.xlane v0, v1;
	_ =	sdelay $0x1  }
0x89: {  	[tilespmem:s25+$0x0] =	vst v1  }
0x8a: {  	v1 =	vld [tilespmem:s26+$0x10];
	_ =	sdelay $0x4  }
0x8b: {  	v1 =	vperm.xlane v0, v1;
	_ =	sdelay $0x1  }
0x8c: {  	[tilespmem:s25+$0x10] =	vst v1  }
0x8d: {  	v1 =	vld [tilespmem:s26+$0x20];
	_ =	sdelay $0x4  }
0x8e: {  	v1 =	vperm.xlane v0, v1;
	_ =	sdelay $0x1  }
0x8f: {  	[tilespmem:s25+$0x20] =	vst v1  }
0x90: {  	v1 =	vld [tilespmem:s26+$0x30];
	_ =	sdelay $0x4  }
0x91: {  	v1 =	vperm.xlane v0, v1;
	_ =	sdelay $0x1  }
0x92: {  	s28 =	simm.s32 $0x74C0;
	s26 =	simm.s32 $0x0;
	[tilespmem:s25+$0x30] =	vst v1  }
.LBB2_4:
0x93: {  	v1 =	vld [tilespmem:s28+$0xFFFFFFC0];
	s26 =	sadd.s32 $0x8, s26  }
0x94: {  	p0 =	slt.u32 s26, $0x638;
	_ =	sdelay $0x3  }
0x95: {  	v1 =	vperm.xlane v0, v1  }
0x96: {  	s25 =	sadd.s32 $0x80, s25  }
0x97: {  	[tilespmem:s25+$0xFFFFFFC0] =	vst v1  }
0x98: {  	v1 =	vld [tilespmem:s28+$0xFFFFFFD0];
	_ =	sdelay $0x4  }
0x99: {  	v1 =	vperm.xlane v0, v1;
	_ =	sdelay $0x1  }
0x9a: {  	[tilespmem:s25+$0xFFFFFFD0] =	vst v1  }
0x9b: {  	v1 =	vld [tilespmem:s28+$0xFFFFFFE0];
	_ =	sdelay $0x4  }
0x9c: {  	v1 =	vperm.xlane v0, v1;
	_ =	sdelay $0x1  }
0x9d: {  	[tilespmem:s25+$0xFFFFFFE0] =	vst v1  }
0x9e: {  	v1 =	vld [tilespmem:s28+$0xFFFFFFF0];
	_ =	sdelay $0x4  }
0x9f: {  	v1 =	vperm.xlane v0, v1;
	_ =	sdelay $0x1  }
0xa0: {  	[tilespmem:s25+$0xFFFFFFF0] =	vst v1  }
0xa1: {  	v1 =	vld [tilespmem:s28+$0x0];
	_ =	sdelay $0x4  }
0xa2: {  	v1 =	vperm.xlane v0, v1;
	_ =	sdelay $0x1  }
0xa3: {  	[tilespmem:s25+$0x0] =	vst v1  }
0xa4: {  	v1 =	vld [tilespmem:s28+$0x10];
	_ =	sdelay $0x4  }
0xa5: {  	v1 =	vperm.xlane v0, v1;
	_ =	sdelay $0x1  }
0xa6: {  	[tilespmem:s25+$0x10] =	vst v1  }
0xa7: {  	v1 =	vld [tilespmem:s28+$0x20];
	_ =	sdelay $0x4  }
0xa8: {  	v1 =	vperm.xlane v0, v1;
	_ =	sdelay $0x1  }
0xa9: {  	[tilespmem:s25+$0x20] =	vst v1  }
0xaa: {  	v1 =	vld [tilespmem:s28+$0x30];
	_ =	sdelay $0x2  }
.Ltmp1:
0xab: {  	(pc) =	sbr.rel @p0 .LBB2_4-.Ltmp1, $3  }
0xac: {  	_ = 	snop  }
0xad: {  	v1 =	vperm.xlane v0, v1;
	_ =	sdelay $0x1  }
0xae: {  	s28 =	sadd.s32 $0x80, s28;
	[tilespmem:s25+$0x30] =	vst v1  }
0xaf: {  	[hbm4b:s9+s2] =	stream.linear.scatter [tilespmem:s21], [sflag:$0x4], $0x6400, $0x38;
	[tilespmem:$0x1A000] =	vst v63  }
0xb0: {  	_ = 	snop  }
0xb1: {  	[tilespmem:s17], [sflag:$0x2] =	stream.linear.gather [hbm4b:s10+s2], $0x6400, $0x38;
	[tilespmem:$0x1A000] =	vst v63  }
0xb2: {  	_ =	swait.ge [sflag:s18], $0x6400  }
0xb3: {  	[sflag:s18] =	ssyncset.done $0x0  }
0xb4: {  	[sflag:s18] =	ssyncadd.s32 $0xFFFF9C00  }
0xb5: {  	_ =	swait.ge [sflag:s22], $0x6400  }
0xb6: {  	[sflag:s22] =	ssyncset.done $0x0  }
0xb7: {  	s26 =	simm.s32 $0x1040;
	[sflag:s22] =	ssyncadd.s32 $0xFFFF9C00  }
0xb8: {  	v1 =	vld [tilespmem:s26+$0xFFFFFFC0];
	_ =	sdelay $0x4  }
0xb9: {  	v1 =	vperm.xlane v0, v1  }
0xba: {  	s25 =	simm.s32 $0xD840  }
0xbb: {  	[tilespmem:s25+$0xFFFFFFC0] =	vst v1  }
0xbc: {  	v1 =	vld [tilespmem:s26+$0xFFFFFFD0];
	_ =	sdelay $0x4  }
0xbd: {  	v1 =	vperm.xlane v0, v1;
	_ =	sdelay $0x1  }
0xbe: {  	[tilespmem:s25+$0xFFFFFFD0] =	vst v1  }
0xbf: {  	v1 =	vld [tilespmem:s26+$0xFFFFFFE0];
	_ =	sdelay $0x4  }
0xc0: {  	v1 =	vperm.xlane v0, v1;
	_ =	sdelay $0x1  }
0xc1: {  	[tilespmem:s25+$0xFFFFFFE0] =	vst v1  }
0xc2: {  	v1 =	vld [tilespmem:s26+$0xFFFFFFF0];
	_ =	sdelay $0x4  }
0xc3: {  	v1 =	vperm.xlane v0, v1;
	_ =	sdelay $0x1  }
0xc4: {  	[tilespmem:s25+$0xFFFFFFF0] =	vst v1  }
0xc5: {  	v1 =	vld [tilespmem:s26+$0x0];
	_ =	sdelay $0x4  }
0xc6: {  	v1 =	vperm.xlane v0, v1;
	_ =	sdelay $0x1  }
0xc7: {  	[tilespmem:s25+$0x0] =	vst v1  }
0xc8: {  	v1 =	vld [tilespmem:s26+$0x10];
	_ =	sdelay $0x4  }
0xc9: {  	v1 =	vperm.xlane v0, v1;
	_ =	sdelay $0x1  }
0xca: {  	[tilespmem:s25+$0x10] =	vst v1  }
0xcb: {  	v1 =	vld [tilespmem:s26+$0x20];
	_ =	sdelay $0x4  }
0xcc: {  	v1 =	vperm.xlane v0, v1;
	_ =	sdelay $0x1  }
0xcd: {  	[tilespmem:s25+$0x20] =	vst v1  }
0xce: {  	v1 =	vld [tilespmem:s26+$0x30];
	_ =	sdelay $0x4  }
0xcf: {  	v1 =	vperm.xlane v0, v1;
	_ =	sdelay $0x1  }
0xd0: {  	s28 =	simm.s32 $0x10C0;
	s26 =	simm.s32 $0x0;
	[tilespmem:s25+$0x30] =	vst v1  }
.LBB2_6:
0xd1: {  	v1 =	vld [tilespmem:s28+$0xFFFFFFC0];
	s26 =	sadd.s32 $0x8, s26  }
0xd2: {  	p0 =	slt.u32 s26, $0x638;
	_ =	sdelay $0x3  }
0xd3: {  	v1 =	vperm.xlane v0, v1  }
0xd4: {  	s25 =	sadd.s32 $0x80, s25  }
0xd5: {  	[tilespmem:s25+$0xFFFFFFC0] =	vst v1  }
0xd6: {  	v1 =	vld [tilespmem:s28+$0xFFFFFFD0];
	_ =	sdelay $0x4  }
0xd7: {  	v1 =	vperm.xlane v0, v1;
	_ =	sdelay $0x1  }
0xd8: {  	[tilespmem:s25+$0xFFFFFFD0] =	vst v1  }
0xd9: {  	v1 =	vld [tilespmem:s28+$0xFFFFFFE0];
	_ =	sdelay $0x4  }
0xda: {  	v1 =	vperm.xlane v0, v1;
	_ =	sdelay $0x1  }
0xdb: {  	[tilespmem:s25+$0xFFFFFFE0] =	vst v1  }
0xdc: {  	v1 =	vld [tilespmem:s28+$0xFFFFFFF0];
	_ =	sdelay $0x4  }
0xdd: {  	v1 =	vperm.xlane v0, v1;
	_ =	sdelay $0x1  }
0xde: {  	[tilespmem:s25+$0xFFFFFFF0] =	vst v1  }
0xdf: {  	v1 =	vld [tilespmem:s28+$0x0];
	_ =	sdelay $0x4  }
0xe0: {  	v1 =	vperm.xlane v0, v1;
	_ =	sdelay $0x1  }
0xe1: {  	[tilespmem:s25+$0x0] =	vst v1  }
0xe2: {  	v1 =	vld [tilespmem:s28+$0x10];
	_ =	sdelay $0x4  }
0xe3: {  	v1 =	vperm.xlane v0, v1;
	_ =	sdelay $0x1  }
0xe4: {  	[tilespmem:s25+$0x10] =	vst v1  }
0xe5: {  	v1 =	vld [tilespmem:s28+$0x20];
	_ =	sdelay $0x4  }
0xe6: {  	v1 =	vperm.xlane v0, v1;
	_ =	sdelay $0x1  }
0xe7: {  	[tilespmem:s25+$0x20] =	vst v1  }
0xe8: {  	v1 =	vld [tilespmem:s28+$0x30];
	_ =	sdelay $0x2  }
.Ltmp2:
0xe9: {  	(pc) =	sbr.rel @p0 .LBB2_6-.Ltmp2, $3  }
0xea: {  	_ = 	snop  }
0xeb: {  	v1 =	vperm.xlane v0, v1;
	_ =	sdelay $0x1  }
0xec: {  	s28 =	sadd.s32 $0x80, s28;
	[tilespmem:s25+$0x30] =	vst v1  }
0xed: {  	[hbm4b:s11+s2] =	stream.linear.scatter [tilespmem:s19], [sflag:$0x3], $0x6400, $0x38;
	[tilespmem:$0x1A000] =	vst v63  }
0xee: {  	_ =	swait.ge [sflag:s20], $0x6400  }
0xef: {  	[sflag:s20] =	ssyncset.done $0x0  }
0xf0: {  	[sflag:s20] =	ssyncadd.s32 $0xFFFF9C00  }
0xf1: {  	_ =	swait.ge [sflag:s23], $0x6400  }
0xf2: {  	[sflag:s23] =	ssyncset.done $0x0  }
0xf3: {  	s26 =	simm.s32 $0x7440;
	[sflag:s23] =	ssyncadd.s32 $0xFFFF9C00  }
0xf4: {  	v1 =	vld [tilespmem:s26+$0xFFFFFFC0];
	_ =	sdelay $0x4  }
0xf5: {  	v1 =	vperm.xlane v0, v1  }
0xf6: {  	s25 =	simm.s32 $0x13C40  }
0xf7: {  	[tilespmem:s25+$0xFFFFFFC0] =	vst v1  }
0xf8: {  	v1 =	vld [tilespmem:s26+$0xFFFFFFD0];
	_ =	sdelay $0x4  }
0xf9: {  	v1 =	vperm.xlane v0, v1;
	_ =	sdelay $0x1  }
0xfa: {  	[tilespmem:s25+$0xFFFFFFD0] =	vst v1  }
0xfb: {  	v1 =	vld [tilespmem:s26+$0xFFFFFFE0];
	_ =	sdelay $0x4  }
0xfc: {  	v1 =	vperm.xlane v0, v1;
	_ =	sdelay $0x1  }
0xfd: {  	[tilespmem:s25+$0xFFFFFFE0] =	vst v1  }
0xfe: {  	v1 =	vld [tilespmem:s26+$0xFFFFFFF0];
	_ =	sdelay $0x4  }
0xff: {  	v1 =	vperm.xlane v0, v1;
	_ =	sdelay $0x1  }
0x100: {  	[tilespmem:s25+$0xFFFFFFF0] =	vst v1  }
0x101: {  	v1 =	vld [tilespmem:s26+$0x0];
	_ =	sdelay $0x4  }
0x102: {  	v1 =	vperm.xlane v0, v1;
	_ =	sdelay $0x1  }
0x103: {  	[tilespmem:s25+$0x0] =	vst v1  }
0x104: {  	v1 =	vld [tilespmem:s26+$0x10];
	_ =	sdelay $0x4  }
0x105: {  	v1 =	vperm.xlane v0, v1;
	_ =	sdelay $0x1  }
0x106: {  	[tilespmem:s25+$0x10] =	vst v1  }
0x107: {  	v1 =	vld [tilespmem:s26+$0x20];
	_ =	sdelay $0x4  }
0x108: {  	v1 =	vperm.xlane v0, v1;
	_ =	sdelay $0x1  }
0x109: {  	[tilespmem:s25+$0x20] =	vst v1  }
0x10a: {  	v1 =	vld [tilespmem:s26+$0x30];
	_ =	sdelay $0x4  }
0x10b: {  	v1 =	vperm.xlane v0, v1;
	_ =	sdelay $0x1  }
0x10c: {  	s28 =	simm.s32 $0x74C0;
	s26 =	simm.s32 $0x0;
	[tilespmem:s25+$0x30] =	vst v1  }
.LBB2_8:
0x10d: {  	v1 =	vld [tilespmem:s28+$0xFFFFFFC0];
	s26 =	sadd.s32 $0x8, s26  }
0x10e: {  	p0 =	slt.u32 s26, $0x638;
	_ =	sdelay $0x3  }
0x10f: {  	v1 =	vperm.xlane v0, v1  }
0x110: {  	s25 =	sadd.s32 $0x80, s25  }
0x111: {  	[tilespmem:s25+$0xFFFFFFC0] =	vst v1  }
0x112: {  	v1 =	vld [tilespmem:s28+$0xFFFFFFD0];
	_ =	sdelay $0x4  }
0x113: {  	v1 =	vperm.xlane v0, v1;
	_ =	sdelay $0x1  }
0x114: {  	[tilespmem:s25+$0xFFFFFFD0] =	vst v1  }
0x115: {  	v1 =	vld [tilespmem:s28+$0xFFFFFFE0];
	_ =	sdelay $0x4  }
0x116: {  	v1 =	vperm.xlane v0, v1;
	_ =	sdelay $0x1  }
0x117: {  	[tilespmem:s25+$0xFFFFFFE0] =	vst v1  }
0x118: {  	v1 =	vld [tilespmem:s28+$0xFFFFFFF0];
	_ =	sdelay $0x4  }
0x119: {  	v1 =	vperm.xlane v0, v1;
	_ =	sdelay $0x1  }
0x11a: {  	[tilespmem:s25+$0xFFFFFFF0] =	vst v1  }
0x11b: {  	v1 =	vld [tilespmem:s28+$0x0];
	_ =	sdelay $0x4  }
0x11c: {  	v1 =	vperm.xlane v0, v1;
	_ =	sdelay $0x1  }
0x11d: {  	[tilespmem:s25+$0x0] =	vst v1  }
0x11e: {  	v1 =	vld [tilespmem:s28+$0x10];
	_ =	sdelay $0x4  }
0x11f: {  	v1 =	vperm.xlane v0, v1;
	_ =	sdelay $0x1  }
0x120: {  	[tilespmem:s25+$0x10] =	vst v1  }
0x121: {  	v1 =	vld [tilespmem:s28+$0x20];
	_ =	sdelay $0x4  }
0x122: {  	v1 =	vperm.xlane v0, v1;
	_ =	sdelay $0x1  }
0x123: {  	[tilespmem:s25+$0x20] =	vst v1  }
0x124: {  	v1 =	vld [tilespmem:s28+$0x30];
	_ =	sdelay $0x2  }
.Ltmp3:
0x125: {  	(pc) =	sbr.rel @p0 .LBB2_8-.Ltmp3, $3  }
0x126: {  	_ = 	snop  }
0x127: {  	v1 =	vperm.xlane v0, v1;
	_ =	sdelay $0x1  }
0x128: {  	s28 =	sadd.s32 $0x80, s28;
	[tilespmem:s25+$0x30] =	vst v1  }
0x129: {  	[hbm4b:s12+s2] =	stream.linear.scatter [tilespmem:s21], [sflag:$0x4], $0x6400, $0x38;
	[tilespmem:$0x1A000] =	vst v63  }
0x12a: {  	s24 =	sadd.s32 $0x1, s24  }
0x12b: {  	_ =	swait.ge [sflag:s22], $0x6400;
	p0 =	sne.s32 s24, s13  }
.Ltmp4:
0x12c: {  	[sflag:s22] =	ssyncset.done $0x0;
	(pc) =	sbr.rel @p0 .LBB2_1-.Ltmp4, $4  }
0x12d: {  	[sflag:s22] =	ssyncadd.s32 $0xFFFF9C00  }
0x12e: {  	_ =	swait.ge [sflag:s23], $0x6400  }
0x12f: {  	[sflag:s23] =	ssyncset.done $0x0  }
0x130: {  	[sflag:s23] =	ssyncadd.s32 $0xFFFF9C00  }
0x131: {  	_ =	sfence.sel $0x180000  }
0x132: {  	[bflag:$0x0] =	sbarrier.arrive $0xFFFF  }
0x133: {  	p0 =	sne.s32 s1, $0x0;
	_ =	strace $0x90000047  }
0x134: {  	s0 =	sadd.s32 @!p0 $0x100000, s0;
	[bflag:$0x2] =	sbarrier.arrive $0xFFFF  }
0x135: {  	[sflag:s0] =	ssyncadd.tile.s32 @!p0 $0x1;
	_ =	shalt  }
.Lfunc_end2:
_tile_overlayer_lowered:
.L_overlay_start_2:
0x136: {  	(tag) =	ssettag $0x2  }
0x137: {  	s0 =	rddreg [dreg:$0x0];
	s2 =	stileid.u32  }
0x138: {  	s1 =	rddreg [dreg:$0x1];
	p0 =	sne.s32 s2, $0x0  }
0x139: {  	s3 =	rddreg [dreg:$0x2];
	[bflag:$0x3] =	sbarrier.arrive $0xFFFF;
	s2 =	simm.s32 @!p0 $0x1C05  }
0x13a: {  	[timem:s3], [sflag:s2] =	dma.local @!p0 [hbm:s0], s1  }
0x13b: {  	s0 =	simm.s32 @!p0 $0x5  }
0x13c: {  	_ =	swait.ge @!p0 [sflag:s0], s1  }
0x13d: {  	s1 =	ssub.s32 @!p0 $0x0, s1;
	[sflag:s0] =	ssyncset.done @!p0 $0x0  }
0x13e: {  	[sflag:s0] =	ssyncadd.s32 @!p0 s1  }
0x13f: {  	[bflag:$0x3] =	sbarrier.arrive $0xFFFF  }
0x140: {  	_ =	shalt  }

</sc_bundles>
